<compile_context>
chip_gen: v7x
topology: tpu7x:2x2x1
jax: 0.10.2.dev20260603
libtpu: 0.0.44.dev20260713+nightly
codegen_flags: <defaults>
</compile_context>

<pallas_src>
import functools

import jax
import jax.numpy as jnp
from jax import lax
from jax.experimental import pallas as pl
from jax.experimental.pallas import tpu as pltpu
from jax.experimental.pallas import tpu_sc as plsc

_VX = 0.16
_VY = 0.16
_XOFF = 0.16 / 2 + 0.0
_YOFF = 0.16 / 2 + (-39.68)
_XL = 432
_YL = 496
_CO = 64
_P = 12000
_NPTS = 32
_BS = 4

_BP = 240
_NBLK = _P // _BP
_CSTRIDE = _YL * _XL
_BSTRIDE = _CO * _CSTRIDE
_NWORDS = _BS * _BSTRIDE
_NW = 32
_SLOTS_W = 384
_ROWS_W = _SLOTS_W * _CO // 128


def _pfn_body(p_ref, aux_ref, m_ref, c_ref, cmax_ref, cmin_ref, sums_ref):
    i = pl.program_id(0)
    p3 = p_ref[...]
    pts = p3.reshape(_BP * _NPTS, 4)
    conv = jnp.dot(pts, m_ref[...], preferred_element_type=jnp.float32,
                   precision=lax.Precision.HIGHEST)
    psum = jnp.sum(p3, axis=1)
    auxv = aux_ref[...]
    inv_n = auxv[:, 2:3]
    u = jnp.concatenate(
        [auxv[:, 0:2], psum[:, 0:3] * inv_n,
         jnp.zeros((_BP, 3), jnp.float32)], axis=1)
    q = jnp.dot(u, c_ref[...], preferred_element_type=jnp.float32,
                precision=lax.Precision.HIGHEST)
    iota = lax.broadcasted_iota(jnp.int32, (_BP, _NPTS), 1).astype(jnp.float32)
    mask = (iota < auxv[:, 3:4]).astype(jnp.float32)
    conv3 = (conv.reshape(_BP, _NPTS, _CO) + q[:, None, :]) * mask[:, :, None]
    cmax_ref[...] = jnp.max(conv3, axis=1)
    cmin_ref[...] = jnp.min(conv3, axis=1)
    s = jnp.sum(conv3, axis=(0, 1))
    ss = jnp.sum(conv3 * conv3, axis=(0, 1))
    pad = jnp.zeros((64,), jnp.float32)
    upd = jnp.concatenate(
        [jnp.concatenate([s, pad])[None],
         jnp.concatenate([ss, pad])[None],
         jnp.zeros((6, 128), jnp.float32)], axis=0)

    @pl.when(i == 0)
    def _():
        sums_ref[...] = upd

    @pl.when(i > 0)
    def _():
        sums_ref[...] = sums_ref[...] + upd


def _sc_scatter_body(vidx_hbm, widx_hbm, cmm_hbm, sb_hbm,
                     canvas_hbm, vidx_v, rows_v,
                     widx_v, wdat_v, sb_v, gsem, ssem):
    wid = lax.axis_index("s") * 2 + lax.axis_index("c")
    pltpu.sync_copy(vidx_hbm.at[wid], vidx_v)
    pltpu.sync_copy(widx_hbm.at[wid], widx_v)
    pltpu.sync_copy(sb_hbm, sb_v)
    handles = []
    for c in range(3):
        handles.append(pltpu.async_copy(
            cmm_hbm.at[vidx_v.at[c]], rows_v.at[pl.ds(c * 128, 128)], gsem))
    for h in handles:
        h.wait()

    sc_k = [sb_v[0, pl.ds(16 * k, 16)] for k in range(4)]
    bi_k = [sb_v[1, pl.ds(16 * k, 16)] for k in range(4)]

    def rowbody(r, carry):
        p_a = 2 * r
        p_b = p_a + 1
        for k in range(8):
            kk = k & 3
            p = p_a if k < 4 else p_b
            vmax = rows_v[p, pl.ds(16 * kk, 16)]
            vmin = rows_v[p, pl.ds(64 + 16 * kk, 16)]
            v = jnp.maximum(sc_k[kk] * vmax, sc_k[kk] * vmin) + bi_k[kk]
            v = jnp.maximum(v, 0.0)
            wdat_v[r, pl.ds(16 * k, 16)] = v
        return carry

    lax.fori_loop(0, _ROWS_W, rowbody, 0)

    def fire(j, carry):
        pltpu.async_copy(wdat_v.at[j], canvas_hbm.at[widx_v.at[j]], ssem)
        return carry

    lax.fori_loop(0, _ROWS_W, fire, 0)

    def drain(j, carry):
        pltpu.make_async_copy(
            wdat_v.at[j], canvas_hbm.at[widx_v.at[j]], ssem).wait()
        return carry

    lax.fori_loop(0, _ROWS_W, drain, 0)


_SC_CACHE = []


def _get_sc_scatter():
    if not _SC_CACHE:
        _SC_CACHE.append(functools.partial(
            pl.kernel,
            out_type=(),
            mesh=plsc.VectorSubcoreMesh(core_axis_name="c",
                                        subcore_axis_name="s"),
            scratch_types=[
                pltpu.VMEM((3, 128), jnp.int32),
                pltpu.VMEM((_SLOTS_W, 128), jnp.float32),
                pltpu.VMEM((_ROWS_W, 128), jnp.int32),
                pltpu.VMEM((_ROWS_W, 128), jnp.float32),
                pltpu.VMEM((2, _CO), jnp.float32),
                pltpu.SemaphoreType.DMA,
                pltpu.SemaphoreType.DMA,
            ],
        )(_sc_scatter_body))
    return _SC_CACHE[0]


def kernel(pillars, coors_batch, npoints_per_pillar, W, gamma, beta):
    f32 = jnp.float32
    i32 = jnp.int32
    b = coors_batch[:, 0]
    gx = coors_batch[:, 1]
    gy = coors_batch[:, 2]
    cx = gx.astype(f32) * _VX + _XOFF
    cy = gy.astype(f32) * _VY + _YOFF
    npf = npoints_per_pillar.astype(f32)
    aux = jnp.stack([cx, cy, 1.0 / npf, npf,
                     jnp.zeros_like(npf), jnp.zeros_like(npf),
                     jnp.zeros_like(npf), jnp.zeros_like(npf)], axis=1)

    a0 = W[:, 0] + W[:, 7]
    a1 = W[:, 1] + W[:, 8]
    m_mat = jnp.stack([a0 + W[:, 4], a1 + W[:, 5], W[:, 2] + W[:, 6],
                       W[:, 3]], axis=0)
    zr = jnp.zeros_like(a0)
    c_mat = jnp.stack([-a0, -a1, -W[:, 4], -W[:, 5], -W[:, 6],
                       zr, zr, zr], axis=0)

    cmax, cmin, sums = pl.pallas_call(
        _pfn_body,
        grid=(_NBLK,),
        in_specs=[
            pl.BlockSpec((_BP, _NPTS, 4), lambda i: (i, 0, 0)),
            pl.BlockSpec((_BP, 8), lambda i: (i, 0)),
            pl.BlockSpec((4, _CO), lambda i: (0, 0)),
            pl.BlockSpec((8, _CO), lambda i: (0, 0)),
        ],
        out_specs=[
            pl.BlockSpec((_BP, _CO), lambda i: (i, 0)),
            pl.BlockSpec((_BP, _CO), lambda i: (i, 0)),
            pl.BlockSpec((8, 128), lambda i: (0, 0)),
        ],
        out_shape=[
            jax.ShapeDtypeStruct((_P, _CO), f32),
            jax.ShapeDtypeStruct((_P, _CO), f32),
            jax.ShapeDtypeStruct((8, 128), f32),
        ],
    )(pillars, aux, m_mat, c_mat)

    n_tot = float(_P * _NPTS)
    s = sums[0, :_CO]
    ss = sums[1, :_CO]
    mean = s / n_tot
    var = ss / n_tot - mean * mean
    inv_std = lax.rsqrt(var + 1e-3)
    scale = gamma * inv_std
    bias = beta - mean * scale
    sb = jnp.stack([scale, bias], axis=0)

    p_ids = jnp.arange(_P, dtype=i32)
    cell = (b * _XL + gx) * _YL + gy
    stamp = jnp.zeros((_BS * _XL * _YL,), i32).at[cell].max(p_ids + 1)
    win = stamp[cell] - 1
    basew = b * _BSTRIDE + gx * _YL + gy
    slot_p = jnp.minimum(jnp.arange(_NW * _SLOTS_W, dtype=i32), _P - 1)
    vidx_slot = win[slot_p].reshape(_NW, 3, 128)
    widx_slot = (basew[slot_p][:, None]
                 + jnp.arange(_CO, dtype=i32)[None, :] * _CSTRIDE
                 ).reshape(_NW, _ROWS_W, 128)

    cmm = jnp.concatenate([cmax, cmin], axis=1)
    cref = jax.new_ref(jnp.zeros((_NWORDS,), f32))
    _get_sc_scatter()(vidx_slot, widx_slot, cmm, sb, cref)
    return jnp.swapaxes(cref[...].reshape(_BS, _CO, _XL, _YL), 2, 3)

# --- scband reference (transcript-rebuilt; emitter-appended) ---
"""Pipeline reference for scband-pillar-encoder-403726926461 (READ-ONLY COPY).

The authoritative reference and input builder live on the scoring server;
editing this copy changes nothing except your own understanding.
"""

import jax, jax.numpy as jnp
import numpy as np

VX = 0.16
VY = 0.16
X_OFFSET = 0.16 / 2 + 0.0
Y_OFFSET = 0.16 / 2 + (-39.68)
X_L = 432
Y_L = 496
C_OUT = 64
P = 12000
NPTS = 32


def setup_inputs(seed: int = 0) -> dict:
    key = jax.random.key(seed)
    ks = jax.random.split(key, 7)
    pillars = jax.random.normal(ks[0], (P, NPTS, 4), dtype=jnp.float32)
    b = jnp.sort(jax.random.randint(ks[1], (P,), 0, 4, dtype=jnp.int32))
    x = jax.random.randint(ks[2], (P,), 0, X_L, dtype=jnp.int32)
    y = jax.random.randint(ks[3], (P,), 0, Y_L, dtype=jnp.int32)
    z = jnp.zeros((P,), dtype=jnp.int32)
    coors_batch = jnp.stack([b, x, y, z], axis=1)
    npoints_per_pillar = jnp.maximum(jax.random.randint(ks[4], (P,), 0, NPTS, dtype=jnp.int32), 1)
    W = jax.random.normal(ks[5], (C_OUT, 9), dtype=jnp.float32) * 0.1
    gamma = jnp.ones((C_OUT,), dtype=jnp.float32)
    beta = jnp.zeros((C_OUT,), dtype=jnp.float32)
    return {"pillars": pillars, "coors_batch": coors_batch, "npoints_per_pillar": npoints_per_pillar, "W": W, "gamma": gamma, "beta": beta}


def reference(pillars, coors_batch, npoints_per_pillar, W, gamma, beta):
    npf = npoints_per_pillar.astype(jnp.float32)
    offset_pt_center = pillars[:, :, :3] - jnp.sum(pillars[:, :, :3], axis=1, keepdims=True) / npf[:, None, None]
    x_off = pillars[:, :, :1] - (coors_batch[:, None, 1:2].astype(jnp.float32) * VX + X_OFFSET)
    y_off = pillars[:, :, 1:2] - (coors_batch[:, None, 2:3].astype(jnp.float32) * VY + Y_OFFSET)
    features = jnp.concatenate([pillars, offset_pt_center, x_off, y_off], axis=-1)
    features = features.at[:, :, 0:1].set(x_off)
    features = features.at[:, :, 1:2].set(y_off)
    n = pillars.shape[1]
    voxel_ids = jnp.arange(n)
    mask = (voxel_ids[:, None] < npoints_per_pillar[None, :]).T
    features = features * mask[:, :, None].astype(features.dtype)
    feats = jnp.transpose(features, (0, 2, 1))
    conv = jnp.einsum('oc,pcn->pon', W, feats)
    mean = jnp.mean(conv, axis=(0, 2), keepdims=True)
    var = jnp.var(conv, axis=(0, 2), keepdims=True)
    bn = (conv - mean) / jnp.sqrt(var + 1e-3) * gamma[None, :, None] + beta[None, :, None]
    act = jax.nn.relu(bn)
    pooled = jnp.max(act, axis=-1)
    bs = 4
    canvas = jnp.zeros((bs, X_L, Y_L, C_OUT), dtype=jnp.float32)
    canvas = canvas.at[coors_batch[:, 0], coors_batch[:, 1], coors_batch[:, 2]].set(pooled)
    return jnp.transpose(canvas, (0, 3, 2, 1))

if __name__ == "__main__":
    import jax
    _d = setup_inputs()
    print(jax.jit(kernel)(*tuple(_d.values())))

</pallas_src>

<mosaic_0001>
#map = affine_map<(d0, d1) -> (0, 0, 0)>
#map1 = affine_map<(d0, d1) -> (0, 0)>
#map2 = affine_map<(d0, d1) -> (0)>
module attributes {stable_mosaic.version = 14 : i64} {
  func.func @new_body(%arg0: i32, %arg1: i32, %arg2: memref<32x3x128xi32, #tpu.memory_space<hbm>>, %arg3: memref<32x192x128xi32, #tpu.memory_space<hbm>>, %arg4: memref<12000x128xf32, #tpu.memory_space<hbm>>, %arg5: memref<2x64xf32, #tpu.memory_space<hbm>>, %arg6: memref<54853632xf32, #tpu.memory_space<hbm>>, %arg7: memref<54853632xf32, #tpu.memory_space<hbm>>, %arg8: memref<3x128xi32, #tpu.memory_space<vmem>>, %arg9: memref<384x128xf32, #tpu.memory_space<vmem>>, %arg10: memref<192x128xi32, #tpu.memory_space<vmem>>, %arg11: memref<192x128xf32, #tpu.memory_space<vmem>>, %arg12: memref<2x64xf32, #tpu.memory_space<vmem>>, %arg13: memref<!tpu.dma_semaphore, #tpu.memory_space<semaphore_mem>>, %arg14: memref<!tpu.dma_semaphore, #tpu.memory_space<semaphore_mem>>) attributes {dimension_semantics = [#tpu.dimension_semantics<core_parallel>, #tpu.dimension_semantics<subcore_parallel>], iteration_bounds = array<i64: 2, 16>, scalar_prefetch = 0 : i64, scratch_operands = 7 : i64, tpu.core_type = #tpu.core_type<sc_vector_subcore>, window_params = [{transform_indices = #map}, {transform_indices = #map}, {transform_indices = #map1}, {transform_indices = #map1}, {transform_indices = #map2}, {transform_indices = #map2}]} {
    %mul3A = arith.constant 2 : i32
    %mul3A_0 = arith.muli %arg1, %mul3A : i32
    %add3A = arith.addi %mul3A_0, %arg0 : i32
    "tpu.region"() ({
      %run_scoped3A = tpu.sem_alloc : memref<!tpu.dma_semaphore, #tpu.memory_space<semaphore_mem>>
      %dma_start3A_115 = arith.constant 0 : i32
      %dma_start3A_116 = arith.constant 0 : i32
      %dma_start3A_117 = tpu.memref_slice %arg2[%add3A, %dma_start3A_115, %dma_start3A_116] : memref<32x3x128xi32, #tpu.memory_space<hbm>> -> memref<1x3x128xi32, #tpu.memory_space<hbm>>
      %dma_start3A_118 = tpu.memref_squeeze %dma_start3A_117 : memref<1x3x128xi32, #tpu.memory_space<hbm>> -> memref<3x128xi32, #tpu.memory_space<hbm>>
      %dma_start3A_119 = arith.constant 0 : i32
      %dma_start3A_120 = arith.constant 0 : i32
      %dma_start3A_121 = tpu.memref_slice %arg2[%add3A, %dma_start3A_119, %dma_start3A_120] : memref<32x3x128xi32, #tpu.memory_space<hbm>> -> memref<1x3x128xi32, #tpu.memory_space<hbm>>
      %dma_start3A_122 = tpu.memref_squeeze %dma_start3A_121 : memref<1x3x128xi32, #tpu.memory_space<hbm>> -> memref<3x128xi32, #tpu.memory_space<hbm>>
      tpu.enqueue_dma source(%dma_start3A_122 : memref<3x128xi32, #tpu.memory_space<hbm>>) target(%arg8 : memref<3x128xi32, #tpu.memory_space<vmem>>) target_semaphore(%run_scoped3A : memref<!tpu.dma_semaphore, #tpu.memory_space<semaphore_mem>>)
      %dma_wait3A_123 = arith.constant 0 : i32
      %dma_wait3A_124 = arith.constant 0 : i32
      %dma_wait3A_125 = tpu.memref_slice %arg2[%add3A, %dma_wait3A_123, %dma_wait3A_124] : memref<32x3x128xi32, #tpu.memory_space<hbm>> -> memref<1x3x128xi32, #tpu.memory_space<hbm>>
      %dma_wait3A_126 = tpu.memref_squeeze %dma_wait3A_125 : memref<1x3x128xi32, #tpu.memory_space<hbm>> -> memref<3x128xi32, #tpu.memory_space<hbm>>
      %dma_wait3A_127 = arith.constant 0 : i32
      %dma_wait3A_128 = arith.constant 0 : i32
      %dma_wait3A_129 = tpu.memref_slice %arg2[%add3A, %dma_wait3A_127, %dma_wait3A_128] : memref<32x3x128xi32, #tpu.memory_space<hbm>> -> memref<1x3x128xi32, #tpu.memory_space<hbm>>
      %dma_wait3A_130 = tpu.memref_squeeze %dma_wait3A_129 : memref<1x3x128xi32, #tpu.memory_space<hbm>> -> memref<3x128xi32, #tpu.memory_space<hbm>>
      tpu.wait_dma2 semaphore(%run_scoped3A : memref<!tpu.dma_semaphore, #tpu.memory_space<semaphore_mem>>) src(%dma_wait3A_130 : memref<3x128xi32, #tpu.memory_space<hbm>>) dst(%arg8 : memref<3x128xi32, #tpu.memory_space<vmem>>)
      tpu.yield
    }) : () -> ()
    "tpu.region"() ({
      %run_scoped3A = tpu.sem_alloc : memref<!tpu.dma_semaphore, #tpu.memory_space<semaphore_mem>>
      %dma_start3A_115 = arith.constant 0 : i32
      %dma_start3A_116 = arith.constant 0 : i32
      %dma_start3A_117 = tpu.memref_slice %arg3[%add3A, %dma_start3A_115, %dma_start3A_116] : memref<32x192x128xi32, #tpu.memory_space<hbm>> -> memref<1x192x128xi32, #tpu.memory_space<hbm>>
      %dma_start3A_118 = tpu.memref_squeeze %dma_start3A_117 : memref<1x192x128xi32, #tpu.memory_space<hbm>> -> memref<192x128xi32, #tpu.memory_space<hbm>>
      %dma_start3A_119 = arith.constant 0 : i32
      %dma_start3A_120 = arith.constant 0 : i32
      %dma_start3A_121 = tpu.memref_slice %arg3[%add3A, %dma_start3A_119, %dma_start3A_120] : memref<32x192x128xi32, #tpu.memory_space<hbm>> -> memref<1x192x128xi32, #tpu.memory_space<hbm>>
      %dma_start3A_122 = tpu.memref_squeeze %dma_start3A_121 : memref<1x192x128xi32, #tpu.memory_space<hbm>> -> memref<192x128xi32, #tpu.memory_space<hbm>>
      tpu.enqueue_dma source(%dma_start3A_122 : memref<192x128xi32, #tpu.memory_space<hbm>>) target(%arg10 : memref<192x128xi32, #tpu.memory_space<vmem>>) target_semaphore(%run_scoped3A : memref<!tpu.dma_semaphore, #tpu.memory_space<semaphore_mem>>)
      %dma_wait3A_123 = arith.constant 0 : i32
      %dma_wait3A_124 = arith.constant 0 : i32
      %dma_wait3A_125 = tpu.memref_slice %arg3[%add3A, %dma_wait3A_123, %dma_wait3A_124] : memref<32x192x128xi32, #tpu.memory_space<hbm>> -> memref<1x192x128xi32, #tpu.memory_space<hbm>>
      %dma_wait3A_126 = tpu.memref_squeeze %dma_wait3A_125 : memref<1x192x128xi32, #tpu.memory_space<hbm>> -> memref<192x128xi32, #tpu.memory_space<hbm>>
      %dma_wait3A_127 = arith.constant 0 : i32
      %dma_wait3A_128 = arith.constant 0 : i32
      %dma_wait3A_129 = tpu.memref_slice %arg3[%add3A, %dma_wait3A_127, %dma_wait3A_128] : memref<32x192x128xi32, #tpu.memory_space<hbm>> -> memref<1x192x128xi32, #tpu.memory_space<hbm>>
      %dma_wait3A_130 = tpu.memref_squeeze %dma_wait3A_129 : memref<1x192x128xi32, #tpu.memory_space<hbm>> -> memref<192x128xi32, #tpu.memory_space<hbm>>
      tpu.wait_dma2 semaphore(%run_scoped3A : memref<!tpu.dma_semaphore, #tpu.memory_space<semaphore_mem>>) src(%dma_wait3A_130 : memref<192x128xi32, #tpu.memory_space<hbm>>) dst(%arg10 : memref<192x128xi32, #tpu.memory_space<vmem>>)
      tpu.yield
    }) : () -> ()
    "tpu.region"() ({
      %run_scoped3A = tpu.sem_alloc : memref<!tpu.dma_semaphore, #tpu.memory_space<semaphore_mem>>
      tpu.enqueue_dma source(%arg5 : memref<2x64xf32, #tpu.memory_space<hbm>>) target(%arg12 : memref<2x64xf32, #tpu.memory_space<vmem>>) target_semaphore(%run_scoped3A : memref<!tpu.dma_semaphore, #tpu.memory_space<semaphore_mem>>)
      tpu.wait_dma2 semaphore(%run_scoped3A : memref<!tpu.dma_semaphore, #tpu.memory_space<semaphore_mem>>) src(%arg5 : memref<2x64xf32, #tpu.memory_space<hbm>>) dst(%arg12 : memref<2x64xf32, #tpu.memory_space<vmem>>)
      tpu.yield
    }) : () -> ()
    %dma_start3A = arith.constant 0 : i32
    %dma_start3A_1 = arith.constant 0 : i32
    %dma_start3A_2 = arith.constant 0 : i32
    %dma_start3A_3 = tpu.memref_slice %arg9[%dma_start3A_1, %dma_start3A_2] : memref<384x128xf32, #tpu.memory_space<vmem>> -> memref<128x128xf32, #tpu.memory_space<vmem>>
    %dma_start3A_4 = arith.constant 0 : i32
    %dma_start3A_5 = tpu.memref_slice %arg8[%dma_start3A, %dma_start3A_4] : memref<3x128xi32, #tpu.memory_space<vmem>> -> memref<1x128xi32, #tpu.memory_space<vmem>>
    %dma_start3A_6 = tpu.memref_squeeze %dma_start3A_5 : memref<1x128xi32, #tpu.memory_space<vmem>> -> memref<128xi32, #tpu.memory_space<vmem>>
    %dma_start3A_7 = arith.constant 0 : i32
    %dma_start3A_8 = arith.constant 0 : i32
    %dma_start3A_9 = tpu.memref_slice %arg4[%dma_start3A_7, %dma_start3A_8] : memref<12000x128xf32, #tpu.memory_space<hbm>> -> memref<12000x128xf32, #tpu.memory_space<hbm>>
    tpu.enqueue_indirect_dma source(%dma_start3A_9 : memref<12000x128xf32, #tpu.memory_space<hbm>>) target(%dma_start3A_3 : memref<128x128xf32, #tpu.memory_space<vmem>>) offsets(%dma_start3A_6 : memref<128xi32, #tpu.memory_space<vmem>>) semaphore(%arg13 : memref<!tpu.dma_semaphore, #tpu.memory_space<semaphore_mem>>)
    %dma_start3A_10 = arith.constant 1 : i32
    %dma_start3A_11 = arith.constant 128 : i32
    %dma_start3A_12 = arith.constant 0 : i32
    %dma_start3A_13 = tpu.memref_slice %arg9[%dma_start3A_11, %dma_start3A_12] : memref<384x128xf32, #tpu.memory_space<vmem>> -> memref<128x128xf32, #tpu.memory_space<vmem>>
    %dma_start3A_14 = arith.constant 0 : i32
    %dma_start3A_15 = tpu.memref_slice %arg8[%dma_start3A_10, %dma_start3A_14] : memref<3x128xi32, #tpu.memory_space<vmem>> -> memref<1x128xi32, #tpu.memory_space<vmem>>
    %dma_start3A_16 = tpu.memref_squeeze %dma_start3A_15 : memref<1x128xi32, #tpu.memory_space<vmem>> -> memref<128xi32, #tpu.memory_space<vmem>>
    %dma_start3A_17 = arith.constant 0 : i32
    %dma_start3A_18 = arith.constant 0 : i32
    %dma_start3A_19 = tpu.memref_slice %arg4[%dma_start3A_17, %dma_start3A_18] : memref<12000x128xf32, #tpu.memory_space<hbm>> -> memref<12000x128xf32, #tpu.memory_space<hbm>>
    tpu.enqueue_indirect_dma source(%dma_start3A_19 : memref<12000x128xf32, #tpu.memory_space<hbm>>) target(%dma_start3A_13 : memref<128x128xf32, #tpu.memory_space<vmem>>) offsets(%dma_start3A_16 : memref<128xi32, #tpu.memory_space<vmem>>) semaphore(%arg13 : memref<!tpu.dma_semaphore, #tpu.memory_space<semaphore_mem>>)
    %dma_start3A_20 = arith.constant 2 : i32
    %dma_start3A_21 = arith.constant 256 : i32
    %dma_start3A_22 = arith.constant 0 : i32
    %dma_start3A_23 = tpu.memref_slice %arg9[%dma_start3A_21, %dma_start3A_22] : memref<384x128xf32, #tpu.memory_space<vmem>> -> memref<128x128xf32, #tpu.memory_space<vmem>>
    %dma_start3A_24 = arith.constant 0 : i32
    %dma_start3A_25 = tpu.memref_slice %arg8[%dma_start3A_20, %dma_start3A_24] : memref<3x128xi32, #tpu.memory_space<vmem>> -> memref<1x128xi32, #tpu.memory_space<vmem>>
    %dma_start3A_26 = tpu.memref_squeeze %dma_start3A_25 : memref<1x128xi32, #tpu.memory_space<vmem>> -> memref<128xi32, #tpu.memory_space<vmem>>
    %dma_start3A_27 = arith.constant 0 : i32
    %dma_start3A_28 = arith.constant 0 : i32
    %dma_start3A_29 = tpu.memref_slice %arg4[%dma_start3A_27, %dma_start3A_28] : memref<12000x128xf32, #tpu.memory_space<hbm>> -> memref<12000x128xf32, #tpu.memory_space<hbm>>
    tpu.enqueue_indirect_dma source(%dma_start3A_29 : memref<12000x128xf32, #tpu.memory_space<hbm>>) target(%dma_start3A_23 : memref<128x128xf32, #tpu.memory_space<vmem>>) offsets(%dma_start3A_26 : memref<128xi32, #tpu.memory_space<vmem>>) semaphore(%arg13 : memref<!tpu.dma_semaphore, #tpu.memory_space<semaphore_mem>>)
    %dma_wait3A = arith.constant 0 : i32
    %dma_wait3A_30 = arith.constant 0 : i32
    %dma_wait3A_31 = arith.constant 0 : i32
    %dma_wait3A_32 = tpu.memref_slice %arg9[%dma_wait3A_30, %dma_wait3A_31] : memref<384x128xf32, #tpu.memory_space<vmem>> -> memref<128x128xf32, #tpu.memory_space<vmem>>
    %dma_wait3A_33 = arith.constant 0 : i32
    %dma_wait3A_34 = tpu.memref_slice %arg8[%dma_wait3A, %dma_wait3A_33] : memref<3x128xi32, #tpu.memory_space<vmem>> -> memref<1x128xi32, #tpu.memory_space<vmem>>
    %dma_wait3A_35 = tpu.memref_squeeze %dma_wait3A_34 : memref<1x128xi32, #tpu.memory_space<vmem>> -> memref<128xi32, #tpu.memory_space<vmem>>
    %dma_wait3A_36 = arith.constant 0 : i32
    %dma_wait3A_37 = arith.constant 0 : i32
    %dma_wait3A_38 = tpu.memref_slice %arg4[%dma_wait3A_36, %dma_wait3A_37] : memref<12000x128xf32, #tpu.memory_space<hbm>> -> memref<12000x128xf32, #tpu.memory_space<hbm>>
    tpu.wait_indirect_dma semaphore(%arg13 : memref<!tpu.dma_semaphore, #tpu.memory_space<semaphore_mem>>) src(%dma_wait3A_38 : memref<12000x128xf32, #tpu.memory_space<hbm>>) dst(%dma_wait3A_32 : memref<128x128xf32, #tpu.memory_space<vmem>>)
    %dma_wait3A_39 = arith.constant 1 : i32
    %dma_wait3A_40 = arith.constant 128 : i32
    %dma_wait3A_41 = arith.constant 0 : i32
    %dma_wait3A_42 = tpu.memref_slice %arg9[%dma_wait3A_40, %dma_wait3A_41] : memref<384x128xf32, #tpu.memory_space<vmem>> -> memref<128x128xf32, #tpu.memory_space<vmem>>
    %dma_wait3A_43 = arith.constant 0 : i32
    %dma_wait3A_44 = tpu.memref_slice %arg8[%dma_wait3A_39, %dma_wait3A_43] : memref<3x128xi32, #tpu.memory_space<vmem>> -> memref<1x128xi32, #tpu.memory_space<vmem>>
    %dma_wait3A_45 = tpu.memref_squeeze %dma_wait3A_44 : memref<1x128xi32, #tpu.memory_space<vmem>> -> memref<128xi32, #tpu.memory_space<vmem>>
    %dma_wait3A_46 = arith.constant 0 : i32
    %dma_wait3A_47 = arith.constant 0 : i32
    %dma_wait3A_48 = tpu.memref_slice %arg4[%dma_wait3A_46, %dma_wait3A_47] : memref<12000x128xf32, #tpu.memory_space<hbm>> -> memref<12000x128xf32, #tpu.memory_space<hbm>>
    tpu.wait_indirect_dma semaphore(%arg13 : memref<!tpu.dma_semaphore, #tpu.memory_space<semaphore_mem>>) src(%dma_wait3A_48 : memref<12000x128xf32, #tpu.memory_space<hbm>>) dst(%dma_wait3A_42 : memref<128x128xf32, #tpu.memory_space<vmem>>)
    %dma_wait3A_49 = arith.constant 2 : i32
    %dma_wait3A_50 = arith.constant 256 : i32
    %dma_wait3A_51 = arith.constant 0 : i32
    %dma_wait3A_52 = tpu.memref_slice %arg9[%dma_wait3A_50, %dma_wait3A_51] : memref<384x128xf32, #tpu.memory_space<vmem>> -> memref<128x128xf32, #tpu.memory_space<vmem>>
    %dma_wait3A_53 = arith.constant 0 : i32
    %dma_wait3A_54 = tpu.memref_slice %arg8[%dma_wait3A_49, %dma_wait3A_53] : memref<3x128xi32, #tpu.memory_space<vmem>> -> memref<1x128xi32, #tpu.memory_space<vmem>>
    %dma_wait3A_55 = tpu.memref_squeeze %dma_wait3A_54 : memref<1x128xi32, #tpu.memory_space<vmem>> -> memref<128xi32, #tpu.memory_space<vmem>>
    %dma_wait3A_56 = arith.constant 0 : i32
    %dma_wait3A_57 = arith.constant 0 : i32
    %dma_wait3A_58 = tpu.memref_slice %arg4[%dma_wait3A_56, %dma_wait3A_57] : memref<12000x128xf32, #tpu.memory_space<hbm>> -> memref<12000x128xf32, #tpu.memory_space<hbm>>
    tpu.wait_indirect_dma semaphore(%arg13 : memref<!tpu.dma_semaphore, #tpu.memory_space<semaphore_mem>>) src(%dma_wait3A_58 : memref<12000x128xf32, #tpu.memory_space<hbm>>) dst(%dma_wait3A_52 : memref<128x128xf32, #tpu.memory_space<vmem>>)
    %get3A = arith.constant 0 : i32
    %get3A_59 = arith.index_cast %get3A : i32 to index
    %get3A_60 = arith.constant 0 : index
    %get3A_61 = tpu.vector_load %arg12[%get3A_59, %get3A_60] {strides = array<i32>} : memref<2x64xf32, #tpu.memory_space<vmem>>, vector<1x16xf32>,
    %get3A_62 = vector.shape_cast %get3A_61 : vector<1x16xf32> to vector<16xf32>
    %get3A_63 = arith.constant 0 : i32
    %get3A_64 = arith.index_cast %get3A_63 : i32 to index
    %get3A_65 = arith.constant 16 : index
    %get3A_66 = tpu.vector_load %arg12[%get3A_64, %get3A_65] {strides = array<i32>} : memref<2x64xf32, #tpu.memory_space<vmem>>, vector<1x16xf32>,
    %get3A_67 = vector.shape_cast %get3A_66 : vector<1x16xf32> to vector<16xf32>
    %get3A_68 = arith.constant 0 : i32
    %get3A_69 = arith.index_cast %get3A_68 : i32 to index
    %get3A_70 = arith.constant 32 : index
    %get3A_71 = tpu.vector_load %arg12[%get3A_69, %get3A_70] {strides = array<i32>} : memref<2x64xf32, #tpu.memory_space<vmem>>, vector<1x16xf32>,
    %get3A_72 = vector.shape_cast %get3A_71 : vector<1x16xf32> to vector<16xf32>
    %get3A_73 = arith.constant 0 : i32
    %get3A_74 = arith.index_cast %get3A_73 : i32 to index
    %get3A_75 = arith.constant 48 : index
    %get3A_76 = tpu.vector_load %arg12[%get3A_74, %get3A_75] {strides = array<i32>} : memref<2x64xf32, #tpu.memory_space<vmem>>, vector<1x16xf32>,
    %get3A_77 = vector.shape_cast %get3A_76 : vector<1x16xf32> to vector<16xf32>
    %get3A_78 = arith.constant 1 : i32
    %get3A_79 = arith.index_cast %get3A_78 : i32 to index
    %get3A_80 = arith.constant 0 : index
    %get3A_81 = tpu.vector_load %arg12[%get3A_79, %get3A_80] {strides = array<i32>} : memref<2x64xf32, #tpu.memory_space<vmem>>, vector<1x16xf32>,
    %get3A_82 = vector.shape_cast %get3A_81 : vector<1x16xf32> to vector<16xf32>
    %get3A_83 = arith.constant 1 : i32
    %get3A_84 = arith.index_cast %get3A_83 : i32 to index
    %get3A_85 = arith.constant 16 : index
    %get3A_86 = tpu.vector_load %arg12[%get3A_84, %get3A_85] {strides = array<i32>} : memref<2x64xf32, #tpu.memory_space<vmem>>, vector<1x16xf32>,
    %get3A_87 = vector.shape_cast %get3A_86 : vector<1x16xf32> to vector<16xf32>
    %get3A_88 = arith.constant 1 : i32
    %get3A_89 = arith.index_cast %get3A_88 : i32 to index
    %get3A_90 = arith.constant 32 : index
    %get3A_91 = tpu.vector_load %arg12[%get3A_89, %get3A_90] {strides = array<i32>} : memref<2x64xf32, #tpu.memory_space<vmem>>, vector<1x16xf32>,
    %get3A_92 = vector.shape_cast %get3A_91 : vector<1x16xf32> to vector<16xf32>
    %get3A_93 = arith.constant 1 : i32
    %get3A_94 = arith.index_cast %get3A_93 : i32 to index
    %get3A_95 = arith.constant 48 : index
    %get3A_96 = tpu.vector_load %arg12[%get3A_94, %get3A_95] {strides = array<i32>} : memref<2x64xf32, #tpu.memory_space<vmem>>, vector<1x16xf32>,
    %get3A_97 = vector.shape_cast %get3A_96 : vector<1x16xf32> to vector<16xf32>
    %scan3A = arith.constant 0 : i32
    %scan3A_98 = arith.constant 0 : i32
    %scan3A_99 = arith.constant 192 : i32
    %scan3A_100 = arith.addi %scan3A_98, %scan3A_99 : i32
    %scan3A_101 = arith.constant 1 : i32
    scf.for %scan3A_115 = %scan3A_98 to %scan3A_100 step %scan3A_101  : i32 {
      %mul3A_116 = arith.constant 2 : i32
      %mul3A_117 = arith.muli %mul3A_116, %scan3A_115 : i32
      %add3A_118 = arith.constant 1 : i32
      %add3A_119 = arith.addi %mul3A_117, %add3A_118 : i32
      %get3A_120 = arith.index_cast %mul3A_117 : i32 to index
      %get3A_121 = arith.constant 0 : index
      %get3A_122 = tpu.vector_load %arg9[%get3A_120, %get3A_121] {strides = array<i32>} : memref<384x128xf32, #tpu.memory_space<vmem>>, vector<1x16xf32>,
      %get3A_123 = vector.shape_cast %get3A_122 : vector<1x16xf32> to vector<16xf32>
      %get3A_124 = arith.index_cast %mul3A_117 : i32 to index
      %get3A_125 = arith.constant 64 : index
      %get3A_126 = tpu.vector_load %arg9[%get3A_124, %get3A_125] {strides = array<i32>} : memref<384x128xf32, #tpu.memory_space<vmem>>, vector<1x16xf32>,
      %get3A_127 = vector.shape_cast %get3A_126 : vector<1x16xf32> to vector<16xf32>
      %mul3A_128 = arith.mulf %get3A_62, %get3A_123 : vector<16xf32>
      %mul3A_129 = arith.mulf %get3A_62, %get3A_127 : vector<16xf32>
      %max3A = arith.maximumf %mul3A_128, %mul3A_129 : vector<16xf32>
      %add3A_130 = arith.addf %max3A, %get3A_82 : vector<16xf32>
      %max3A_131 = arith.constant 0.000000e+00 : f32
      %max3A_132 = vector.broadcast %max3A_131 : f32 to vector<16xf32>
      %max3A_133 = arith.maximumf %add3A_130, %max3A_132 : vector<16xf32>
      %swap3A = arith.index_cast %scan3A_115 : i32 to index
      %swap3A_134 = arith.constant 0 : index
      %swap3A_135 = tpu.vector_load %arg11[%swap3A, %swap3A_134] {strides = array<i32>} : memref<192x128xf32, #tpu.memory_space<vmem>>, vector<1x16xf32>,
      %swap3A_136 = vector.shape_cast %swap3A_135 : vector<1x16xf32> to vector<16xf32>
      %swap3A_137 = vector.shape_cast %max3A_133 : vector<16xf32> to vector<1x16xf32>
      tpu.vector_store %arg11[%swap3A, %swap3A_134], %swap3A_137 {strides = array<i32>} : memref<192x128xf32, #tpu.memory_space<vmem>>, vector<1x16xf32>,
      %get3A_138 = arith.index_cast %mul3A_117 : i32 to index
      %get3A_139 = arith.constant 16 : index
      %get3A_140 = tpu.vector_load %arg9[%get3A_138, %get3A_139] {strides = array<i32>} : memref<384x128xf32, #tpu.memory_space<vmem>>, vector<1x16xf32>,
      %get3A_141 = vector.shape_cast %get3A_140 : vector<1x16xf32> to vector<16xf32>
      %get3A_142 = arith.index_cast %mul3A_117 : i32 to index
      %get3A_143 = arith.constant 80 : index
      %get3A_144 = tpu.vector_load %arg9[%get3A_142, %get3A_143] {strides = array<i32>} : memref<384x128xf32, #tpu.memory_space<vmem>>, vector<1x16xf32>,
      %get3A_145 = vector.shape_cast %get3A_144 : vector<1x16xf32> to vector<16xf32>
      %mul3A_146 = arith.mulf %get3A_67, %get3A_141 : vector<16xf32>
      %mul3A_147 = arith.mulf %get3A_67, %get3A_145 : vector<16xf32>
      %max3A_148 = arith.maximumf %mul3A_146, %mul3A_147 : vector<16xf32>
      %add3A_149 = arith.addf %max3A_148, %get3A_87 : vector<16xf32>
      %max3A_150 = arith.constant 0.000000e+00 : f32
      %max3A_151 = vector.broadcast %max3A_150 : f32 to vector<16xf32>
      %max3A_152 = arith.maximumf %add3A_149, %max3A_151 : vector<16xf32>
      %swap3A_153 = arith.index_cast %scan3A_115 : i32 to index
      %swap3A_154 = arith.constant 16 : index
      %swap3A_155 = tpu.vector_load %arg11[%swap3A_153, %swap3A_154] {strides = array<i32>} : memref<192x128xf32, #tpu.memory_space<vmem>>, vector<1x16xf32>,
      %swap3A_156 = vector.shape_cast %swap3A_155 : vector<1x16xf32> to vector<16xf32>
      %swap3A_157 = vector.shape_cast %max3A_152 : vector<16xf32> to vector<1x16xf32>
      tpu.vector_store %arg11[%swap3A_153, %swap3A_154], %swap3A_157 {strides = array<i32>} : memref<192x128xf32, #tpu.memory_space<vmem>>, vector<1x16xf32>,
      %get3A_158 = arith.index_cast %mul3A_117 : i32 to index
      %get3A_159 = arith.constant 32 : index
      %get3A_160 = tpu.vector_load %arg9[%get3A_158, %get3A_159] {strides = array<i32>} : memref<384x128xf32, #tpu.memory_space<vmem>>, vector<1x16xf32>,
      %get3A_161 = vector.shape_cast %get3A_160 : vector<1x16xf32> to vector<16xf32>
      %get3A_162 = arith.index_cast %mul3A_117 : i32 to index
      %get3A_163 = arith.constant 96 : index
      %get3A_164 = tpu.vector_load %arg9[%get3A_162, %get3A_163] {strides = array<i32>} : memref<384x128xf32, #tpu.memory_space<vmem>>, vector<1x16xf32>,
      %get3A_165 = vector.shape_cast %get3A_164 : vector<1x16xf32> to vector<16xf32>
      %mul3A_166 = arith.mulf %get3A_72, %get3A_161 : vector<16xf32>
      %mul3A_167 = arith.mulf %get3A_72, %get3A_165 : vector<16xf32>
      %max3A_168 = arith.maximumf %mul3A_166, %mul3A_167 : vector<16xf32>
      %add3A_169 = arith.addf %max3A_168, %get3A_92 : vector<16xf32>
      %max3A_170 = arith.constant 0.000000e+00 : f32
      %max3A_171 = vector.broadcast %max3A_170 : f32 to vector<16xf32>
      %max3A_172 = arith.maximumf %add3A_169, %max3A_171 : vector<16xf32>
      %swap3A_173 = arith.index_cast %scan3A_115 : i32 to index
      %swap3A_174 = arith.constant 32 : index
      %swap3A_175 = tpu.vector_load %arg11[%swap3A_173, %swap3A_174] {strides = array<i32>} : memref<192x128xf32, #tpu.memory_space<vmem>>, vector<1x16xf32>,
      %swap3A_176 = vector.shape_cast %swap3A_175 : vector<1x16xf32> to vector<16xf32>
      %swap3A_177 = vector.shape_cast %max3A_172 : vector<16xf32> to vector<1x16xf32>
      tpu.vector_store %arg11[%swap3A_173, %swap3A_174], %swap3A_177 {strides = array<i32>} : memref<192x128xf32, #tpu.memory_space<vmem>>, vector<1x16xf32>,
      %get3A_178 = arith.index_cast %mul3A_117 : i32 to index
      %get3A_179 = arith.constant 48 : index
      %get3A_180 = tpu.vector_load %arg9[%get3A_178, %get3A_179] {strides = array<i32>} : memref<384x128xf32, #tpu.memory_space<vmem>>, vector<1x16xf32>,
      %get3A_181 = vector.shape_cast %get3A_180 : vector<1x16xf32> to vector<16xf32>
      %get3A_182 = arith.index_cast %mul3A_117 : i32 to index
      %get3A_183 = arith.constant 112 : index
      %get3A_184 = tpu.vector_load %arg9[%get3A_182, %get3A_183] {strides = array<i32>} : memref<384x128xf32, #tpu.memory_space<vmem>>, vector<1x16xf32>,
      %get3A_185 = vector.shape_cast %get3A_184 : vector<1x16xf32> to vector<16xf32>
      %mul3A_186 = arith.mulf %get3A_77, %get3A_181 : vector<16xf32>
      %mul3A_187 = arith.mulf %get3A_77, %get3A_185 : vector<16xf32>
      %max3A_188 = arith.maximumf %mul3A_186, %mul3A_187 : vector<16xf32>
      %add3A_189 = arith.addf %max3A_188, %get3A_97 : vector<16xf32>
      %max3A_190 = arith.constant 0.000000e+00 : f32
      %max3A_191 = vector.broadcast %max3A_190 : f32 to vector<16xf32>
      %max3A_192 = arith.maximumf %add3A_189, %max3A_191 : vector<16xf32>
      %swap3A_193 = arith.index_cast %scan3A_115 : i32 to index
      %swap3A_194 = arith.constant 48 : index
      %swap3A_195 = tpu.vector_load %arg11[%swap3A_193, %swap3A_194] {strides = array<i32>} : memref<192x128xf32, #tpu.memory_space<vmem>>, vector<1x16xf32>,
      %swap3A_196 = vector.shape_cast %swap3A_195 : vector<1x16xf32> to vector<16xf32>
      %swap3A_197 = vector.shape_cast %max3A_192 : vector<16xf32> to vector<1x16xf32>
      tpu.vector_store %arg11[%swap3A_193, %swap3A_194], %swap3A_197 {strides = array<i32>} : memref<192x128xf32, #tpu.memory_space<vmem>>, vector<1x16xf32>,
      %get3A_198 = arith.index_cast %add3A_119 : i32 to index
      %get3A_199 = arith.constant 0 : index
      %get3A_200 = tpu.vector_load %arg9[%get3A_198, %get3A_199] {strides = array<i32>} : memref<384x128xf32, #tpu.memory_space<vmem>>, vector<1x16xf32>,
      %get3A_201 = vector.shape_cast %get3A_200 : vector<1x16xf32> to vector<16xf32>
      %get3A_202 = arith.index_cast %add3A_119 : i32 to index
      %get3A_203 = arith.constant 64 : index
      %get3A_204 = tpu.vector_load %arg9[%get3A_202, %get3A_203] {strides = array<i32>} : memref<384x128xf32, #tpu.memory_space<vmem>>, vector<1x16xf32>,
      %get3A_205 = vector.shape_cast %get3A_204 : vector<1x16xf32> to vector<16xf32>
      %mul3A_206 = arith.mulf %get3A_62, %get3A_201 : vector<16xf32>
      %mul3A_207 = arith.mulf %get3A_62, %get3A_205 : vector<16xf32>
      %max3A_208 = arith.maximumf %mul3A_206, %mul3A_207 : vector<16xf32>
      %add3A_209 = arith.addf %max3A_208, %get3A_82 : vector<16xf32>
      %max3A_210 = arith.constant 0.000000e+00 : f32
      %max3A_211 = vector.broadcast %max3A_210 : f32 to vector<16xf32>
      %max3A_212 = arith.maximumf %add3A_209, %max3A_211 : vector<16xf32>
      %swap3A_213 = arith.index_cast %scan3A_115 : i32 to index
      %swap3A_214 = arith.constant 64 : index
      %swap3A_215 = tpu.vector_load %arg11[%swap3A_213, %swap3A_214] {strides = array<i32>} : memref<192x128xf32, #tpu.memory_space<vmem>>, vector<1x16xf32>,
      %swap3A_216 = vector.shape_cast %swap3A_215 : vector<1x16xf32> to vector<16xf32>
      %swap3A_217 = vector.shape_cast %max3A_212 : vector<16xf32> to vector<1x16xf32>
      tpu.vector_store %arg11[%swap3A_213, %swap3A_214], %swap3A_217 {strides = array<i32>} : memref<192x128xf32, #tpu.memory_space<vmem>>, vector<1x16xf32>,
      %get3A_218 = arith.index_cast %add3A_119 : i32 to index
      %get3A_219 = arith.constant 16 : index
      %get3A_220 = tpu.vector_load %arg9[%get3A_218, %get3A_219] {strides = array<i32>} : memref<384x128xf32, #tpu.memory_space<vmem>>, vector<1x16xf32>,
      %get3A_221 = vector.shape_cast %get3A_220 : vector<1x16xf32> to vector<16xf32>
      %get3A_222 = arith.index_cast %add3A_119 : i32 to index
      %get3A_223 = arith.constant 80 : index
      %get3A_224 = tpu.vector_load %arg9[%get3A_222, %get3A_223] {strides = array<i32>} : memref<384x128xf32, #tpu.memory_space<vmem>>, vector<1x16xf32>,
      %get3A_225 = vector.shape_cast %get3A_224 : vector<1x16xf32> to vector<16xf32>
      %mul3A_226 = arith.mulf %get3A_67, %get3A_221 : vector<16xf32>
      %mul3A_227 = arith.mulf %get3A_67, %get3A_225 : vector<16xf32>
      %max3A_228 = arith.maximumf %mul3A_226, %mul3A_227 : vector<16xf32>
      %add3A_229 = arith.addf %max3A_228, %get3A_87 : vector<16xf32>
      %max3A_230 = arith.constant 0.000000e+00 : f32
      %max3A_231 = vector.broadcast %max3A_230 : f32 to vector<16xf32>
      %max3A_232 = arith.maximumf %add3A_229, %max3A_231 : vector<16xf32>
      %swap3A_233 = arith.index_cast %scan3A_115 : i32 to index
      %swap3A_234 = arith.constant 80 : index
      %swap3A_235 = tpu.vector_load %arg11[%swap3A_233, %swap3A_234] {strides = array<i32>} : memref<192x128xf32, #tpu.memory_space<vmem>>, vector<1x16xf32>,
      %swap3A_236 = vector.shape_cast %swap3A_235 : vector<1x16xf32> to vector<16xf32>
      %swap3A_237 = vector.shape_cast %max3A_232 : vector<16xf32> to vector<1x16xf32>
      tpu.vector_store %arg11[%swap3A_233, %swap3A_234], %swap3A_237 {strides = array<i32>} : memref<192x128xf32, #tpu.memory_space<vmem>>, vector<1x16xf32>,
      %get3A_238 = arith.index_cast %add3A_119 : i32 to index
      %get3A_239 = arith.constant 32 : index
      %get3A_240 = tpu.vector_load %arg9[%get3A_238, %get3A_239] {strides = array<i32>} : memref<384x128xf32, #tpu.memory_space<vmem>>, vector<1x16xf32>,
      %get3A_241 = vector.shape_cast %get3A_240 : vector<1x16xf32> to vector<16xf32>
      %get3A_242 = arith.index_cast %add3A_119 : i32 to index
      %get3A_243 = arith.constant 96 : index
      %get3A_244 = tpu.vector_load %arg9[%get3A_242, %get3A_243] {strides = array<i32>} : memref<384x128xf32, #tpu.memory_space<vmem>>, vector<1x16xf32>,
      %get3A_245 = vector.shape_cast %get3A_244 : vector<1x16xf32> to vector<16xf32>
      %mul3A_246 = arith.mulf %get3A_72, %get3A_241 : vector<16xf32>
      %mul3A_247 = arith.mulf %get3A_72, %get3A_245 : vector<16xf32>
      %max3A_248 = arith.maximumf %mul3A_246, %mul3A_247 : vector<16xf32>
      %add3A_249 = arith.addf %max3A_248, %get3A_92 : vector<16xf32>
      %max3A_250 = arith.constant 0.000000e+00 : f32
      %max3A_251 = vector.broadcast %max3A_250 : f32 to vector<16xf32>
      %max3A_252 = arith.maximumf %add3A_249, %max3A_251 : vector<16xf32>
      %swap3A_253 = arith.index_cast %scan3A_115 : i32 to index
      %swap3A_254 = arith.constant 96 : index
      %swap3A_255 = tpu.vector_load %arg11[%swap3A_253, %swap3A_254] {strides = array<i32>} : memref<192x128xf32, #tpu.memory_space<vmem>>, vector<1x16xf32>,
      %swap3A_256 = vector.shape_cast %swap3A_255 : vector<1x16xf32> to vector<16xf32>
      %swap3A_257 = vector.shape_cast %max3A_252 : vector<16xf32> to vector<1x16xf32>
      tpu.vector_store %arg11[%swap3A_253, %swap3A_254], %swap3A_257 {strides = array<i32>} : memref<192x128xf32, #tpu.memory_space<vmem>>, vector<1x16xf32>,
      %get3A_258 = arith.index_cast %add3A_119 : i32 to index
      %get3A_259 = arith.constant 48 : index
      %get3A_260 = tpu.vector_load %arg9[%get3A_258, %get3A_259] {strides = array<i32>} : memref<384x128xf32, #tpu.memory_space<vmem>>, vector<1x16xf32>,
      %get3A_261 = vector.shape_cast %get3A_260 : vector<1x16xf32> to vector<16xf32>
      %get3A_262 = arith.index_cast %add3A_119 : i32 to index
      %get3A_263 = arith.constant 112 : index
      %get3A_264 = tpu.vector_load %arg9[%get3A_262, %get3A_263] {strides = array<i32>} : memref<384x128xf32, #tpu.memory_space<vmem>>, vector<1x16xf32>,
      %get3A_265 = vector.shape_cast %get3A_264 : vector<1x16xf32> to vector<16xf32>
      %mul3A_266 = arith.mulf %get3A_77, %get3A_261 : vector<16xf32>
      %mul3A_267 = arith.mulf %get3A_77, %get3A_265 : vector<16xf32>
      %max3A_268 = arith.maximumf %mul3A_266, %mul3A_267 : vector<16xf32>
      %add3A_269 = arith.addf %max3A_268, %get3A_97 : vector<16xf32>
      %max3A_270 = arith.constant 0.000000e+00 : f32
      %max3A_271 = vector.broadcast %max3A_270 : f32 to vector<16xf32>
      %max3A_272 = arith.maximumf %add3A_269, %max3A_271 : vector<16xf32>
      %swap3A_273 = arith.index_cast %scan3A_115 : i32 to index
      %swap3A_274 = arith.constant 112 : index
      %swap3A_275 = tpu.vector_load %arg11[%swap3A_273, %swap3A_274] {strides = array<i32>} : memref<192x128xf32, #tpu.memory_space<vmem>>, vector<1x16xf32>,
      %swap3A_276 = vector.shape_cast %swap3A_275 : vector<1x16xf32> to vector<16xf32>
      %swap3A_277 = vector.shape_cast %max3A_272 : vector<16xf32> to vector<1x16xf32>
      tpu.vector_store %arg11[%swap3A_273, %swap3A_274], %swap3A_277 {strides = array<i32>} : memref<192x128xf32, #tpu.memory_space<vmem>>, vector<1x16xf32>,
    }
    %scan3A_102 = arith.constant 192 : i32
    %scan3A_103 = arith.constant 0 : i32
    %scan3A_104 = arith.constant 0 : i32
    %scan3A_105 = arith.constant 192 : i32
    %scan3A_106 = arith.addi %scan3A_104, %scan3A_105 : i32
    %scan3A_107 = arith.constant 1 : i32
    scf.for %scan3A_115 = %scan3A_104 to %scan3A_106 step %scan3A_107  : i32 {
      %dma_start3A_116 = arith.constant 0 : i32
      %dma_start3A_117 = tpu.memref_slice %arg11[%scan3A_115, %dma_start3A_116] : memref<192x128xf32, #tpu.memory_space<vmem>> -> memref<1x128xf32, #tpu.memory_space<vmem>>
      %dma_start3A_118 = tpu.memref_squeeze %dma_start3A_117 : memref<1x128xf32, #tpu.memory_space<vmem>> -> memref<128xf32, #tpu.memory_space<vmem>>
      %dma_start3A_119 = arith.constant 0 : i32
      %dma_start3A_120 = tpu.memref_slice %arg10[%scan3A_115, %dma_start3A_119] : memref<192x128xi32, #tpu.memory_space<vmem>> -> memref<1x128xi32, #tpu.memory_space<vmem>>
      %dma_start3A_121 = tpu.memref_squeeze %dma_start3A_120 : memref<1x128xi32, #tpu.memory_space<vmem>> -> memref<128xi32, #tpu.memory_space<vmem>>
      %dma_start3A_122 = arith.constant 0 : i32
      %dma_start3A_123 = tpu.memref_slice %arg6[%dma_start3A_122] : memref<54853632xf32, #tpu.memory_space<hbm>> -> memref<54853632xf32, #tpu.memory_space<hbm>>
      tpu.enqueue_indirect_dma source(%dma_start3A_118 : memref<128xf32, #tpu.memory_space<vmem>>) target(%dma_start3A_123 : memref<54853632xf32, #tpu.memory_space<hbm>>) offsets(%dma_start3A_121 : memref<128xi32, #tpu.memory_space<vmem>>) semaphore(%arg14 : memref<!tpu.dma_semaphore, #tpu.memory_space<semaphore_mem>>)
    }
    %scan3A_108 = arith.constant 192 : i32
    %scan3A_109 = arith.constant 0 : i32
    %scan3A_110 = arith.constant 0 : i32
    %scan3A_111 = arith.constant 192 : i32
    %scan3A_112 = arith.addi %scan3A_110, %scan3A_111 : i32
    %scan3A_113 = arith.constant 1 : i32
    scf.for %scan3A_115 = %scan3A_110 to %scan3A_112 step %scan3A_113  : i32 {
      %dma_wait3A_116 = arith.constant 0 : i32
      %dma_wait3A_117 = tpu.memref_slice %arg11[%scan3A_115, %dma_wait3A_116] : memref<192x128xf32, #tpu.memory_space<vmem>> -> memref<1x128xf32, #tpu.memory_space<vmem>>
      %dma_wait3A_118 = tpu.memref_squeeze %dma_wait3A_117 : memref<1x128xf32, #tpu.memory_space<vmem>> -> memref<128xf32, #tpu.memory_space<vmem>>
      %dma_wait3A_119 = arith.constant 0 : i32
      %dma_wait3A_120 = tpu.memref_slice %arg10[%scan3A_115, %dma_wait3A_119] : memref<192x128xi32, #tpu.memory_space<vmem>> -> memref<1x128xi32, #tpu.memory_space<vmem>>
      %dma_wait3A_121 = tpu.memref_squeeze %dma_wait3A_120 : memref<1x128xi32, #tpu.memory_space<vmem>> -> memref<128xi32, #tpu.memory_space<vmem>>
      %dma_wait3A_122 = arith.constant 0 : i32
      %dma_wait3A_123 = tpu.memref_slice %arg6[%dma_wait3A_122] : memref<54853632xf32, #tpu.memory_space<hbm>> -> memref<54853632xf32, #tpu.memory_space<hbm>>
      tpu.wait_indirect_dma semaphore(%arg14 : memref<!tpu.dma_semaphore, #tpu.memory_space<semaphore_mem>>) src(%dma_wait3A_118 : memref<128xf32, #tpu.memory_space<vmem>>) dst(%dma_wait3A_123 : memref<54853632xf32, #tpu.memory_space<hbm>>)
    }
    %scan3A_114 = arith.constant 192 : i32
    return
  }
}

module attributes {stable_mosaic.version = 14 : i64} {
  func.func @_pfn_body(%arg0: i32, %arg1: memref<240x32x4xf32, #tpu.memory_space<vmem>>, %arg2: memref<240x8xf32, #tpu.memory_space<vmem>>, %arg3: memref<4x64xf32, #tpu.memory_space<vmem>>, %arg4: memref<8x64xf32, #tpu.memory_space<vmem>>, %arg5: memref<240x64xf32, #tpu.memory_space<vmem>>, %arg6: memref<240x64xf32, #tpu.memory_space<vmem>>, %arg7: memref<8x128xf32, #tpu.memory_space<vmem>>) attributes {dimension_semantics = [#tpu.dimension_semantics<arbitrary>], iteration_bounds = array<i64: 50>, scalar_prefetch = 0 : i64, scratch_operands = 0 : i64, tpu.core_type = #tpu.core_type<tc>, window_params = [{transform_indices = @transform_0, window_bounds = array<i64: 240, 32, 4>}, {transform_indices = @transform_1, window_bounds = array<i64: 240, 8>}, {pipeline_mode = #tpu.pipeline_mode<synchronous>, transform_indices = @transform_2, window_bounds = array<i64: 4, 64>}, {pipeline_mode = #tpu.pipeline_mode<synchronous>, transform_indices = @transform_3, window_bounds = array<i64: 8, 64>}, {transform_indices = @transform_4, window_bounds = array<i64: 240, 64>}, {transform_indices = @transform_5, window_bounds = array<i64: 240, 64>}, {pipeline_mode = #tpu.pipeline_mode<synchronous>, transform_indices = @transform_6, window_bounds = array<i64: 8, 128>}]} {
    %get3A = arith.constant 0 : index
    %get3A_0 = arith.constant 0 : index
    %get3A_1 = arith.constant 0 : index
    %get3A_2 = vector.load %arg1[%get3A, %get3A_0, %get3A_1] : memref<240x32x4xf32, #tpu.memory_space<vmem>>, vector<240x32x4xf32>
    %reshape3A = vector.shape_cast %get3A_2 : vector<240x32x4xf32> to vector<7680x4xf32>
    %get3A_3 = arith.constant 0 : index
    %get3A_4 = arith.constant 0 : index
    %get3A_5 = vector.load %arg3[%get3A_3, %get3A_4] : memref<4x64xf32, #tpu.memory_space<vmem>>, vector<4x64xf32>
    %dot_general3A = arith.constant dense<0.000000e+00> : vector<7680x64xf32>
    %dot_general3A_6 = tpu.matmul %reshape3A, %get3A_5, %dot_general3A {dimension_numbers = #tpu.dot_dimension_numbers<[1], [0], [0], [1], [0, 0, 1, 1], [], []>, precision = #tpu.contract_precision<fp32>, transpose_lhs_hint = false} : vector<7680x4xf32>, vector<4x64xf32>, vector<7680x64xf32> -> vector<7680x64xf32>
    %reduce_sum3A = arith.constant dense<0.000000e+00> : vector<240x4xf32>
    %reduce_sum3A_7 = vector.multi_reduction <add>, %get3A_2, %reduce_sum3A [1] : vector<240x32x4xf32> to vector<240x4xf32>
    %get3A_8 = arith.constant 0 : index
    %get3A_9 = arith.constant 0 : index
    %get3A_10 = vector.load %arg2[%get3A_8, %get3A_9] : memref<240x8xf32, #tpu.memory_space<vmem>>, vector<240x8xf32>
    %slice3A = vector.extract_strided_slice %get3A_10 {offsets = [0, 2], sizes = [240, 1], strides = [1, 1]} : vector<240x8xf32> to vector<240x1xf32>
    %slice3A_11 = vector.extract_strided_slice %get3A_10 {offsets = [0, 0], sizes = [240, 2], strides = [1, 1]} : vector<240x8xf32> to vector<240x2xf32>
    %slice3A_12 = vector.extract_strided_slice %reduce_sum3A_7 {offsets = [0, 0], sizes = [240, 3], strides = [1, 1]} : vector<240x4xf32> to vector<240x3xf32>
    %mul3A = vector.broadcast %slice3A : vector<240x1xf32> to vector<240x3xf32>
    %mul3A_13 = arith.mulf %slice3A_12, %mul3A : vector<240x3xf32>
    %broadcast_in_dim3A = arith.constant 0.000000e+00 : f32
    %broadcast_in_dim3A_14 = vector.broadcast %broadcast_in_dim3A : f32 to vector<240x3xf32>
    %concatenate3A = tpu.concatenate %slice3A_11, %mul3A_13, %broadcast_in_dim3A_14 in 1 : vector<240x2xf32>, vector<240x3xf32>, vector<240x3xf32> -> vector<240x8xf32>
    %get3A_15 = arith.constant 0 : index
    %get3A_16 = arith.constant 0 : index
    %get3A_17 = vector.load %arg4[%get3A_15, %get3A_16] : memref<8x64xf32, #tpu.memory_space<vmem>>, vector<8x64xf32>
    %dot_general3A_18 = arith.constant dense<0.000000e+00> : vector<240x64xf32>
    %dot_general3A_19 = tpu.matmul %concatenate3A, %get3A_17, %dot_general3A_18 {dimension_numbers = #tpu.dot_dimension_numbers<[1], [0], [0], [1], [0, 0, 1, 1], [], []>, precision = #tpu.contract_precision<fp32>, transpose_lhs_hint = false} : vector<240x8xf32>, vector<8x64xf32>, vector<240x64xf32> -> vector<240x64xf32>
    %iota3A = tpu.iota {dimensions = array<i32: 1>} : vector<240x32xi32>
    %convert_element_type3A = arith.sitofp %iota3A : vector<240x32xi32> to vector<240x32xf32>
    %slice3A_20 = vector.extract_strided_slice %get3A_10 {offsets = [0, 3], sizes = [240, 1], strides = [1, 1]} : vector<240x8xf32> to vector<240x1xf32>
    %lt3A = vector.broadcast %slice3A_20 : vector<240x1xf32> to vector<240x32xf32>
    %lt3A_21 = arith.cmpf olt, %convert_element_type3A, %lt3A : vector<240x32xf32>
    %convert_element_type3A_22 = arith.extui %lt3A_21 : vector<240x32xi1> to vector<240x32xi32>
    %convert_element_type3A_23 = arith.sitofp %convert_element_type3A_22 : vector<240x32xi32> to vector<240x32xf32>
    %reshape3A_24 = vector.shape_cast %dot_general3A_6 : vector<7680x64xf32> to vector<240x32x64xf32>
    %broadcast_in_dim3A_25 = vector.shape_cast %dot_general3A_19 : vector<240x64xf32> to vector<240x1x64xf32>
    %add3A = vector.broadcast %broadcast_in_dim3A_25 : vector<240x1x64xf32> to vector<240x32x64xf32>
    %add3A_26 = arith.addf %reshape3A_24, %add3A : vector<240x32x64xf32>
    %broadcast_in_dim3A_27 = vector.shape_cast %convert_element_type3A_23 : vector<240x32xf32> to vector<240x32x1xf32>
    %mul3A_28 = vector.broadcast %broadcast_in_dim3A_27 : vector<240x32x1xf32> to vector<240x32x64xf32>
    %mul3A_29 = arith.mulf %add3A_26, %mul3A_28 : vector<240x32x64xf32>
    %reduce_max3A = arith.constant dense<0xFF800000> : vector<240x64xf32>
    %reduce_max3A_30 = vector.multi_reduction <maximumf>, %mul3A_29, %reduce_max3A [1] : vector<240x32x64xf32> to vector<240x64xf32>
    %swap3A = arith.constant 0 : index
    %swap3A_31 = arith.constant 0 : index
    %swap3A_32 = vector.load %arg5[%swap3A, %swap3A_31] : memref<240x64xf32, #tpu.memory_space<vmem>>, vector<240x64xf32>
    tpu.vector_store %arg5[%swap3A, %swap3A_31], %reduce_max3A_30 {strides = array<i32>} : memref<240x64xf32, #tpu.memory_space<vmem>>, vector<240x64xf32>,
    %reduce_min3A = arith.constant dense<0x7F800000> : vector<240x64xf32>
    %reduce_min3A_33 = vector.multi_reduction <minimumf>, %mul3A_29, %reduce_min3A [1] : vector<240x32x64xf32> to vector<240x64xf32>
    %swap3A_34 = arith.constant 0 : index
    %swap3A_35 = arith.constant 0 : index
    %swap3A_36 = vector.load %arg6[%swap3A_34, %swap3A_35] : memref<240x64xf32, #tpu.memory_space<vmem>>, vector<240x64xf32>
    tpu.vector_store %arg6[%swap3A_34, %swap3A_35], %reduce_min3A_33 {strides = array<i32>} : memref<240x64xf32, #tpu.memory_space<vmem>>, vector<240x64xf32>,
    %reduce_sum3A_37 = arith.constant dense<0.000000e+00> : vector<64xf32>
    %reduce_sum3A_38 = vector.multi_reduction <add>, %mul3A_29, %reduce_sum3A_37 [0, 1] : vector<240x32x64xf32> to vector<64xf32>
    %mul3A_39 = arith.mulf %mul3A_29, %mul3A_29 : vector<240x32x64xf32>
    %reduce_sum3A_40 = arith.constant dense<0.000000e+00> : vector<64xf32>
    %reduce_sum3A_41 = vector.multi_reduction <add>, %mul3A_39, %reduce_sum3A_40 [0, 1] : vector<240x32x64xf32> to vector<64xf32>
    %broadcast_in_dim3A_42 = arith.constant 0.000000e+00 : f32
    %broadcast_in_dim3A_43 = vector.broadcast %broadcast_in_dim3A_42 : f32 to vector<64xf32>
    %concatenate3A_44 = tpu.concatenate %reduce_sum3A_38, %broadcast_in_dim3A_43 in 0 : vector<64xf32>, vector<64xf32> -> vector<128xf32>
    %broadcast_in_dim3A_45 = vector.shape_cast %concatenate3A_44 : vector<128xf32> to vector<1x128xf32>
    %concatenate3A_46 = tpu.concatenate %reduce_sum3A_41, %broadcast_in_dim3A_43 in 0 : vector<64xf32>, vector<64xf32> -> vector<128xf32>
    %broadcast_in_dim3A_47 = vector.shape_cast %concatenate3A_46 : vector<128xf32> to vector<1x128xf32>
    %broadcast_in_dim3A_48 = arith.constant 0.000000e+00 : f32
    %broadcast_in_dim3A_49 = vector.broadcast %broadcast_in_dim3A_48 : f32 to vector<6x128xf32>
    %concatenate3A_50 = tpu.concatenate %broadcast_in_dim3A_45, %broadcast_in_dim3A_47, %broadcast_in_dim3A_49 in 0 : vector<1x128xf32>, vector<1x128xf32>, vector<6x128xf32> -> vector<8x128xf32>
    %eq3A = arith.constant 0 : i32
    %eq3A_51 = arith.cmpi eq, %arg0, %eq3A : i32
    %convert_element_type3A_52 = arith.extui %eq3A_51 : i1 to i32
    %cond3A = arith.constant 0 : i32
    %cond3A_53 = arith.cmpi ne, %convert_element_type3A_52, %cond3A : i32
    scf.if %cond3A_53 {
      %swap3A_58 = arith.constant 0 : index
      %swap3A_59 = arith.constant 0 : index
      %swap3A_60 = vector.load %arg7[%swap3A_58, %swap3A_59] : memref<8x128xf32, #tpu.memory_space<vmem>>, vector<8x128xf32>
      tpu.vector_store %arg7[%swap3A_58, %swap3A_59], %concatenate3A_50 {strides = array<i32>} : memref<8x128xf32, #tpu.memory_space<vmem>>, vector<8x128xf32>,
    } else {
    }
    %gt3A = arith.constant 0 : i32
    %gt3A_54 = arith.cmpi sgt, %arg0, %gt3A : i32
    %convert_element_type3A_55 = arith.extui %gt3A_54 : i1 to i32
    %cond3A_56 = arith.constant 0 : i32
    %cond3A_57 = arith.cmpi ne, %convert_element_type3A_55, %cond3A_56 : i32
    scf.if %cond3A_57 {
      %get3A_58 = arith.constant 0 : index
      %get3A_59 = arith.constant 0 : index
      %get3A_60 = vector.load %arg7[%get3A_58, %get3A_59] : memref<8x128xf32, #tpu.memory_space<vmem>>, vector<8x128xf32>
      %add3A_61 = arith.addf %get3A_60, %concatenate3A_50 : vector<8x128xf32>
      %swap3A_62 = arith.constant 0 : index
      %swap3A_63 = arith.constant 0 : index
      %swap3A_64 = vector.load %arg7[%swap3A_62, %swap3A_63] : memref<8x128xf32, #tpu.memory_space<vmem>>, vector<8x128xf32>
      tpu.vector_store %arg7[%swap3A_62, %swap3A_63], %add3A_61 {strides = array<i32>} : memref<8x128xf32, #tpu.memory_space<vmem>>, vector<8x128xf32>,
    } else {
    }
    return
  }
  func.func @transform_0(%arg0: i32) -> (i32, i32, i32) {
    %c0_i32 = arith.constant 0 : i32
    %c0_i32_0 = arith.constant 0 : i32
    %c0_i32_1 = arith.constant 0 : i32
    return %arg0, %c0_i32, %c0_i32_0 : i32, i32, i32
  }
  func.func @transform_1(%arg0: i32) -> (i32, i32) {
    %c0_i32 = arith.constant 0 : i32
    %c0_i32_0 = arith.constant 0 : i32
    return %arg0, %c0_i32 : i32, i32
  }
  func.func @transform_2(%arg0: i32) -> (i32, i32) {
    %c0_i32 = arith.constant 0 : i32
    %c0_i32_0 = arith.constant 0 : i32
    %c0_i32_1 = arith.constant 0 : i32
    return %c0_i32, %c0_i32_0 : i32, i32
  }
  func.func @transform_3(%arg0: i32) -> (i32, i32) {
    %c0_i32 = arith.constant 0 : i32
    %c0_i32_0 = arith.constant 0 : i32
    %c0_i32_1 = arith.constant 0 : i32
    return %c0_i32, %c0_i32_0 : i32, i32
  }
  func.func @transform_4(%arg0: i32) -> (i32, i32) {
    %c0_i32 = arith.constant 0 : i32
    %c0_i32_0 = arith.constant 0 : i32
    return %arg0, %c0_i32 : i32, i32
  }
  func.func @transform_5(%arg0: i32) -> (i32, i32) {
    %c0_i32 = arith.constant 0 : i32
    %c0_i32_0 = arith.constant 0 : i32
    return %arg0, %c0_i32 : i32, i32
  }
  func.func @transform_6(%arg0: i32) -> (i32, i32) {
    %c0_i32 = arith.constant 0 : i32
    %c0_i32_0 = arith.constant 0 : i32
    %c0_i32_1 = arith.constant 0 : i32
    return %c0_i32, %c0_i32_0 : i32, i32
  }
}

</mosaic_0001>

<sc_bundles>
// kernel: gather_offload_async_start.1
scs
__scs_entry_jumppad:
0x0: {  	(pc) =	sbr.rel $0x88, $3  }
0x1: {  	(tag) =	ssettag $0x0;
	lr =	simm.s32 $0x1  }
0x2: {  	[smem:$0x3F9B] =	sst lr;
	_ =	strace $0xD0000000  }
0x3: {  	_ = 	snop  }
0x4: {  	_ = 	snop  }
0x5: {  	_ = 	snop  }
0x6: {  	_ = 	snop  }
0x7: {  	_ = 	snop  }
__scs_overlays_trampoline_lowered:
0x8: {  	[smem:$0x3FAA] =	sst s0  }
0x9: {  	[smem:$0x3FAB] =	sst s1  }
0xa: {  	[smem:$0x3FAC] =	sst s2  }
0xb: {  	[smem:$0x3FAD] =	sst s3  }
0xc: {  	[smem:$0x3FAE] =	sst s4  }
0xd: {  	[smem:$0x3FAF] =	sst s5  }
0xe: {  	[smem:$0x3FB0] =	sst s6  }
0xf: {  	[smem:$0x3FB1] =	sst s7  }
0x10: {  	[smem:$0x3FB2] =	sst s8  }
0x11: {  	[smem:$0x3FB3] =	sst s9;
	s0 =	simm.s32 @!p0 $0x0  }
0x12: {  	s1 =	sld [smem:$0x3F99];
	s0 =	simm.s32 @p0 $0x1  }
0x13: {  	[smem:$0x3FB4] =	sst s0;
	s0 =	simm.s32 @!p1 $0x0  }
0x14: {  	s2 =	sld [smem:$0x3F98];
	s0 =	simm.s32 @p1 $0x1  }
0x15: {  	[smem:$0x3FB5] =	sst s0;
	s0 =	simm.s32 @!p2 $0x0  }
0x16: {  	s3 =	sld [smem:$0x3FDB];
	s0 =	simm.s32 @p2 $0x1  }
0x17: {  	s4 =	simm.s32 $0x1BF5;
	[smem:$0x3FB7] =	sst s0  }
0x18: {  	s0 =	sld [smem:$0x3F9A];
	_ =	swait.ge [sflag:s4], $0x0  }
0x19: {  	s7 =	sld [smem:$0x3F9B]  }
0x1a: {  	s8 =	sadd.s32 $0xFFFFE003, lr  }
0x1b: {  	s9 =	sadd.s32 $0xFFFFFEF7, lr;
	s5 =	simm.s32 $0xFFFFFFFF;
	p2 =	slt.u32 s8, $0xFFFFF086  }
0x1c: {  	p1 =	slt.u32 s9, $0xF7A;
	s5 =	simm.s32 @!p2 $0x0  }
0x1d: {  	s5 =	simm.s32 @p1 $0x1;
	p0 =	seq.s32 s7, s2  }
0x1e: {  	s7 =	smul.u32 @!p0 $0xF7A, s2;
	p2 =	seq.s32 @!p0 s5, $0x0  }
0x1f: {  	s9 =	smul.u32 $0xF7A, s1;
	s8 =	simm.s32 @!p0 $0x1BF5;
	p2 =	por !p2, p0  }
0x20: {  	[sflag:s8] =	ssyncset.s32 @!p0 $0xFFFFF086;
	s6 =	sadd.s32 @!p0 s3, s7;
	s7 =	simm.s32 @!p0 $0x108  }
0x21: {  	s3 =	sadd.s32 s3, s9;
	s6 =	sadd.s32 @!p0 $0x88, s6;
	s7 =	simm.s32 @p2 $0x1082  }
0x22: {  	[simem:s7], [sflag:s8] =	dma.local @!p0 [hbm:s6], $0xF7A  }
0x23: {  	s9 =	sor.u32 $0xD0000000, s2;
	s6 =	simm.s32 $0x108;
	_ =	swait.ge @!p0 [sflag:s8], $0x0  }
0x24: {  	s3 =	sadd.s32 $0x88, s3;
	s6 =	simm.s32 @!p1 $0x1082;
	[sflag:s4] =	ssyncset.s32 $0xFFFFF086  }
0x25: {  	[simem:s6], [sflag:s4] =	dma.local [hbm:s3], $0xF7A  }
0x26: {  	[smem:$0x3F9B] =	sst s1;
	(tag) =	ssettag s2;
	_ =	strace s9  }
0x27: {  	s1 =	sld [smem:$0x3FAB]  }
0x28: {  	s2 =	sld [smem:$0x3FAC]  }
0x29: {  	s4 =	sld [smem:$0x3FAE]  }
0x2a: {  	p0 =	seq.s32 s5, $0x0;
	s5 =	sld [smem:$0x3FAF]  }
0x2b: {  	s6 =	sld [smem:$0x3FB0]  }
0x2c: {  	s7 =	sld [smem:$0x3FB1]  }
0x2d: {  	s3 =	simm.s32 $0x108;
	s8 =	sld [smem:$0x3FB2]  }
0x2e: {  	s3 =	simm.s32 @!p0 $0x1082;
	s9 =	sld [smem:$0x3FB3]  }
0x2f: {  	lr =	sadd.s32 s0, s3;
	s0 =	sld [smem:$0x3FAA]  }
0x30: {  	s3 =	sld [smem:$0x3FAD]  }
0x31: {  	[smem:$0x3FB6] =	sst s10  }
0x32: {  	s10 =	sld [smem:$0x3FB4];
	_ =	sdelay $0x3  }
0x33: {  	p0 =	seq.s32 s10, $0x1;
	s10 =	sld [smem:$0x3FB6];
	_ =	sdelay $0x3  }
0x34: {  	[smem:$0x3FB6] =	sst s10  }
0x35: {  	s10 =	sld [smem:$0x3FB5];
	_ =	sdelay $0x3  }
0x36: {  	p1 =	seq.s32 s10, $0x1;
	s10 =	sld [smem:$0x3FB6];
	_ =	sdelay $0x3  }
0x37: {  	[smem:$0x3FB6] =	sst s10  }
0x38: {  	s10 =	sld [smem:$0x3FB7]  }
0x39: {  	_ = 	snop;
	(pc) =	sbr.ind lr, $3  }
0x3a: {  	_ = 	snop  }
0x3b: {  	_ = 	snop  }
0x3c: {  	p2 =	seq.s32 s10, $0x1;
	s10 =	sld [smem:$0x3FB6]  }
0x3d: {  	_ =	shalt  }
0x3e: {  	_ =	shalt  }
0x3f: {  	_ =	shalt  }
0x40: {  	_ =	shalt  }
0x41: {  	_ =	shalt  }
0x42: {  	_ =	shalt  }
0x43: {  	_ =	shalt  }
0x44: {  	_ =	shalt  }
0x45: {  	_ =	shalt  }
0x46: {  	_ =	shalt  }
0x47: {  	_ =	shalt  }
0x48: {  	_ =	shalt  }
0x49: {  	_ =	shalt  }
0x4a: {  	_ =	shalt  }
0x4b: {  	_ =	shalt  }
0x4c: {  	_ =	shalt  }
0x4d: {  	_ =	shalt  }
0x4e: {  	_ =	shalt  }
0x4f: {  	_ =	shalt  }
0x50: {  	_ =	shalt  }
0x51: {  	_ =	shalt  }
0x52: {  	_ =	shalt  }
0x53: {  	_ =	shalt  }
0x54: {  	_ =	shalt  }
0x55: {  	_ =	shalt  }
0x56: {  	_ =	shalt  }
0x57: {  	_ =	shalt  }
0x58: {  	_ =	shalt  }
0x59: {  	_ =	shalt  }
0x5a: {  	_ =	shalt  }
0x5b: {  	_ =	shalt  }
0x5c: {  	_ =	shalt  }
0x5d: {  	_ =	shalt  }
0x5e: {  	_ =	shalt  }
0x5f: {  	_ =	shalt  }
0x60: {  	_ =	shalt  }
0x61: {  	_ =	shalt  }
0x62: {  	_ =	shalt  }
0x63: {  	_ =	shalt  }
0x64: {  	_ =	shalt  }
0x65: {  	_ =	shalt  }
0x66: {  	_ =	shalt  }
0x67: {  	_ =	shalt  }
0x68: {  	_ =	shalt  }
0x69: {  	_ =	shalt  }
0x6a: {  	_ =	shalt  }
0x6b: {  	_ =	shalt  }
0x6c: {  	_ =	shalt  }
0x6d: {  	_ =	shalt  }
0x6e: {  	_ =	shalt  }
0x6f: {  	_ =	shalt  }
0x70: {  	_ =	shalt  }
0x71: {  	_ =	shalt  }
0x72: {  	_ =	shalt  }
0x73: {  	_ =	shalt  }
0x74: {  	_ =	shalt  }
0x75: {  	_ =	shalt  }
0x76: {  	_ =	shalt  }
0x77: {  	_ =	shalt  }
0x78: {  	_ =	shalt  }
0x79: {  	_ =	shalt  }
0x7a: {  	_ =	shalt  }
0x7b: {  	_ =	shalt  }
0x7c: {  	_ =	shalt  }
0x7d: {  	_ =	shalt  }
0x7e: {  	_ =	shalt  }
0x7f: {  	_ =	shalt  }
0x80: {  	_ =	shalt  }
0x81: {  	_ =	shalt  }
0x82: {  	_ =	shalt  }
0x83: {  	_ =	shalt  }
0x84: {  	_ =	shalt  }
0x85: {  	_ =	shalt  }
0x86: {  	_ =	shalt  }
0x87: {  	_ =	shalt  }
.Lfunc_end0:
.L_simem_size_0:
called_computation.2_lowered:
.L_overlay_start_0:
0x88: {  	s2 =	sld [smem:$0x3FD9]  }
0x89: {  	s3 =	sld [smem:$0x3FFE];
	_ =	sdelay $0x1  }
0x8a: {  	s1 =	srdreg.scid  }
0x8b: {  	s0 =	sand.u32 $0x1, s1  }
0x8c: {  	s16 =	sshll.u32 s0, $0xA;
	s2 =	sadd.s32 s3, s2  }
0x8d: {  	s2 =	sadd.s32 s2, s16  }
0x8e: {  	[smem:$0x3FC2] =	sst s2  }
0x8f: {  	_ = 	snop  }
0x90: {  	(tm) =	ssettm $0x1  }
0x91: {  	s17 =	sld [smem:$0x3FFB];
	_ =	sdelay $0x3  }
0x92: {  	_ =	strace s17  }
0x93: {  	s2 =	sld [smem:$0x3FFC];
	_ =	sdelay $0x3  }
0x94: {  	_ =	strace s2  }
0x95: {  	s2 =	sld [smem:$0x3FFD];
	_ =	sdelay $0x3  }
0x96: {  	_ =	strace s2  }
0x97: {  	_ =	strace $0x8FFFFFFF  }
0x98: {  	s18 =	sld [smem:$0x3FDB];
	_ =	sdelay $0x1  }
0x99: {  	s19 =	simm.s32 $_scs_section_size  }
0x9a: {  	s4 =	simm.s32 $_size__tile_overlayer_lowered;
	s5 =	simm.s32 $_tile_overlayer_lowered  }
0x9b: {  	s22 =	simm.s32 $0x1BFF;
	s21 =	sshll.u32 s5, $0x1;
	s2 =	sadd.s32 s19, s18  }
0x9c: {  	s6 =	simm.s32 $0x0;
	s20 =	sshll.u32 s4, $0x1;
	s4 =	sadd.s32 s21, s2  }
0x9d: {  	[timem:s6], [sflag:s22] =	dma.local [hbm:s4], s20  }
0x9e: {  	_ =	swait.ge [sflag:s22], s20  }
0x9f: {  	s3 =	ssub.s32 $0x0, s20;
	[sflag:s22] =	ssyncset.done $0x0  }
0xa0: {  	[sflag:s22] =	ssyncadd.s32 s3;
	_ =	sdelay $0x1  }
0xa1: {  	s23 =	simm.s32 $0x1B8B  }
0xa2: {  	_ =	swait.ge [sflag:s23], $0x1  }
0xa3: {  	[sflag:s23] =	ssyncset.done $0x0  }
0xa4: {  	s25 =	simm.s32 $0x1B8E;
	s24 =	sld [smem:$0x3FFE];
	[sflag:s23] =	ssyncadd.s32 $0xFFFFFFFF  }
0xa5: {  	s26 =	simm.s32 $execute0_lowered;
	[smem:$0x3FD2] =	sst s25  }
0xa6: {  	s4 =	sshll.u32 s26, $0x1;
	_ =	strace $0x8000004F;
	[dreg:$0x1] =	wrdreg $0xFFFFFFFF  }
0xa7: {  	s28 =	simm.s32 $_size_execute0_lowered;
	s2 =	sadd.s32 s2, s4;
	[dreg:$0x0] =	wrdreg $0x0  }
0xa8: {  	s4 =	sshll.u32 s28, $0x1;
	[dreg:$0x2] =	wrdreg s2  }
0xa9: {  	[dreg:$0x3] =	wrdreg s4  }
0xaa: {  	[dreg:$0x4] =	wrdreg $0xC0  }
0xab: {  	_ =	task [dreg:s6], $0x5FFFF  }
0xac: {  	[dreg:$0x1] =	wrdreg $0xFFFFFFFF  }
0xad: {  	[dreg:$0x0] =	wrdreg $0x60  }
0xae: {  	[dreg:$0x2] =	wrdreg s24  }
0xaf: {  	[dreg:$0x3] =	wrdreg $0x9  }
0xb0: {  	_ =	task.clear_ibuf [dreg:s6], $0x4FFFF;
	_ =	strace $0x9000004F  }
0xb1: {  	s29 =	simm.s32 $0x9;
	_ =	strace $0x80000051  }
0xb2: {  	_ =	swait.ge [sflag:s29], $0x1  }
0xb3: {  	[sflag:s29] =	ssyncadd.s32 $0xFFFFFFFF  }
0xb4: {  	_ =	strace $0x90000051  }
0xb5: {  	_ =	sfence  }
0xb6: {  	s30 =	sld [smem:$0x0];
	_ =	sdelay $0x2  }
0xb7: {  	s31 =	sshll.u32 s1, $0xD;
	s1 =	sshrl.u32 s1, $0x2  }
0xb8: {  	s3 =	sand.u32 $0x4000, s31;
	s1 =	sadd.s32 s1, s30  }
0xb9: {  	s0 =	sor.u32 s3, s0;
	s1 =	sshll.u32 s1, $0x11  }
0xba: {  	s0 =	sor.u32 s1, s0  }
0xbb: {  	s0 =	sadd.s32 $0x8F2B, s0  }
0xbc: {  	[sflag:s0] =	ssyncadd.remote.s32 $0x1  }
0xbd: {  	_ =	sfence.sel $0xFFFF  }
0xbe: {  	[dreg:$0x0] =	wrdreg $0xFFFFFFFF;
	(pc) =	sbr.abs _section_cstart, $3  }
0xbf: {  	[dreg:$0x1] =	wrdreg $0xFFFFFFFF  }
0xc0: {  	_ =	task.clear_ibuf [dreg:s6], $0x2FFFF;
	_ =	strace $0x9FFFFFFF  }
0xc1: {  	(tm) =	ssettm $0x7FFFFFFF  }
tec
execute0_lowered:
.L_overlay_start_1:
0x0: {  	(tag) =	ssettag $0x1  }
0x1: {  	s0 =	srdreg.scid;
	s5 =	rddreg [dreg:$0x0]  }
0x2: {  	s1 =	stileid.u32;
	s6 =	simm.s32 $0x1;
	s9 =	simm.s32 $0x1  }
0x3: {  	s10 =	simm.s32 $0x3;
	s13 =	simm.s32 $0x0;
	s2 =	sshll.u32 s0, $0x8  }
0x4: {  	s12 =	simm.s32 $0x0;
	s3 =	sshll.u32 s1, $0x9;
	s2 =	sand.u32 $0x100, s2  }
0x5: {  	s0 =	rddreg [dreg:$0x1];
	_ =	strace $0x80000050;
	s2 =	sor.u32 s3, s2  }
0x6: {  	s4 =	sadd.s32 $0x1600, s5;
	[sflag:s6] =	ssyncpa.u1 $0x0;
	s8 =	ssub.s32 $0x3000, s2  }
.Ltmp0:
0x7: {  	s3 =	sadd.s32 $0x1C00, s5;
	s7 =	sand.u32 $0x1F00, s8;
	(pc) =	sbr.rel .LBB2_1-.Ltmp0, $4  }
0x8: {  	s5 =	sadd.s32 $0xE00, s5;
	s11 =	smov.u32 s2;
	p0 =	sne.s32 s7, $0x0  }
0x9: {  	s8 =	sshrl.u32 s8, $0xD;
	s7 =	simm.s32 $0x2;
	s9 =	simm.s32 @!p0 $0x0  }
0xa: {  	[sflag:s7] =	ssyncpa.u1 $0x0;
	p0 =	por $0x0, $0x0;
	s8 =	sadd.s32 s9, s8  }
0xb: {  	vm0 =	vmmov $0xffff;
	[sflag:s10] =	ssyncpa.u1 $0x0;
	s10 =	simm.s32 $0x0;
	s9 =	sadd.s32 $0x1, s8  }
.LBB2_4:
0xc: {  	v2 =	vnsel vm1, $0x0, v2  }
0xd: {  	vm1 =	vgt.s32 v0, $0x0;
	v2 =	vmin.u32 v2, $0x2EDF  }
0xe: {  	v0 =	vnsel vm1, $0x0, v0  }
0xf: {  	v0 =	vmin.u32 v0, $0x2EDF  }
0x10: {  	[tilespmem:s15], [sflag:$0x1] =	stream.indirect_vreg.gather [hbm4b:s3+s10], $0x1, v1, vm0, $0x4038;
	[tilespmem:$0x400] =	vst v63  }
0x11: {  	(ifvalue) =	ssetifvalue $0x7FFFFFFF  }
0x12: {  	[tilespmem:s16], [sflag:$0x1] =	stream.indirect_vreg.gather [hbm4b:s3+s10], $0x1, v2, vm0, $0x4038;
	[tilespmem:$0x400] =	vst v63  }
0x13: {  	s29 =	sadd.s32 $0x10, s16;
	(ifvalue) =	ssetifvalue $0x7FFFFFFF  }
0x14: {  	[tilespmem:s29], [sflag:$0x1] =	stream.indirect_vreg.gather [hbm4b:s3+s10], $0x1, v0, vm0, $0x4038;
	[tilespmem:$0x400] =	vst v63  }
0x15: {  	_ =	swait.ge [sflag:s6], $0x100  }
0x16: {  	s30 =	sshrl.u32 s13, $0x3;
	[sflag:s6] =	ssyncset.done $0x0  }
0x17: {  	s31 =	sand.u32 $0x7, s13;
	s15 =	sadd.s32 s5, s30;
	[sflag:s6] =	ssyncadd.s32 $0xFFFFFF00  }
0x18: {  	[hbm4b:s15+s31] =	stream.linear.scatter [tilespmem:s14], [sflag:$0x3], $0x100, $0x38;
	[tilespmem:$0x400] =	vst v63  }
.LBB2_5:
0x19: {  	s15 =	sadd.s32 $0x2000, s11  }
0x1a: {  	p2 =	sgt.s32 s15, $0x2FFF  }
0x1b: {  	s15 =	smov.u32 @p2 s2;
	p2 =	sne.s32 s12, s9  }
.Ltmp1:
0x1c: {  	p1 =	slt.u32 s12, $0x2;
	(pc) =	sbr.rel @!p2 .LBB2_6-.Ltmp1, $4  }
0x1d: {  	s14 =	simm.s32 @!p1 $0x3  }
0x1e: {  	s16 =	sadd.s32 $0x1, s12;
	_ =	swait.ge @!p1 [sflag:s14], $0x100  }
0x1f: {  	s13 =	smov.u32 s11;
	p0 =	por !p0, !p0;
	[sflag:s14] =	ssyncset.done @!p1 $0x0  }
0x20: {  	s12 =	smov.u32 s16;
	s11 =	smov.u32 s15;
	[sflag:s14] =	ssyncadd.s32 @!p1 $0xFFFFFF00  }
.LBB2_1:
0x21: {  	p1 =	sge.u32 s12, s8  }
0x22: {  	s14 =	sxor.u32 @!p1 $0xFFFFFFFF, s12  }
0x23: {  	s31 =	sadd.s32 $0xFFFFFFFF, s12;
	s15 =	sshrl.u32 @!p1 s11, $0x3;
	s14 =	sshll.u32 @!p1 s14, $0x8  }
0x24: {  	s16 =	sand.u32 @!p1 $0x7, s11;
	s15 =	sadd.s32 @!p1 s4, s15;
	s14 =	sand.u32 @!p1 $0x100, s14  }
0x25: {  	[tilespmem:s14], [sflag:$0x2] =	stream.linear.gather @!p1 [hbm4b:s15+s16], $0x100, $0x38;
	[tilespmem:$0x400] =	vst v63  }
0x26: {  	p1 =	sge.u32 s31, s8  }
.Ltmp2:
0x27: {  	_ = 	snop;
	(pc) =	sbr.rel @p1 .LBB2_5-.Ltmp2, $1  }
0x28: {  	_ =	sdelay $0x3  }
0x29: {  	s14 =	simm.s32 $0x1  }
0x2a: {  	_ =	swait.ge [sflag:s7], $0x100;
	s14 =	simm.s32 @!p0 $0x0  }
0x2b: {  	[sflag:s7] =	ssyncset.done $0x0;
	s14 =	sshll.u32 s14, $0x8  }
0x2c: {  	[sflag:s7] =	ssyncadd.s32 $0xFFFFFF00;
	(ifvalue) =	ssetifvalue $0x7FFFFFFF;
	v0 =	vld.msk [tilespmem:s14+$0x0 ss:$0x1], $0xffff;
	_ =	sdelay $0x4  }
0x2d: {  	s15 =	sadd.s32 $0x10, s14;
	vm1 =	vgt.s32 v0, $0x0  }
0x2e: {  	v2 =	vld.msk [tilespmem:s15+$0x0 ss:$0x1], $0xffff;
	v1 =	vnsel vm1, $0x0, v0  }
0x2f: {  	v1 =	vmin.u32 v1, $0x2EDF;
	_ =	sdelay $0x1  }
0x30: {  	s16 =	sshll.u32 s12, $0x8;
	s18 =	simm.s32 $0x20  }
0x31: {  	s16 =	sand.u32 $0x100, s16;
	s17 =	sadd.s32 $0x10, s15;
	s15 =	sor.u32 $0x200, s14  }
0x32: {  	s14 =	sor.u32 $0x200, s16;
	s16 =	sadd.s32 $0x10, s15;
	v0 =	vld.msk [tilespmem:s17+$0x0 ss:$0x1], $0xffff;
	vm1 =	vgt.s32 v2, $0x0;
	(ifvalue) =	ssetifvalue $0x7FFFFFFF  }
.LBB2_3:
0x33: {  	[tilespmem:s15], [sflag:$0x1] =	stream.indirect_vreg.gather [hbm4b:s3+s10], $0x1, v1, vm0, $0x4038;
	[tilespmem:$0x400] =	vst v63  }
0x34: {  	s18 =	sadd.s32 $0x10, s18  }
0x35: {  	v2 =	vnsel vm1, $0x0, v2;
	p1 =	slt.u32 s18, $0xF0  }
.Ltmp3:
0x36: {  	s15 =	smov.u32 s16;
	v1 =	vmin.u32 v2, $0x2EDF;
	(pc) =	sbr.rel @p1 .LBB2_3-.Ltmp3, $3  }
0x37: {  	_ =	sdelay $0x1  }
0x38: {  	s17 =	sadd.s32 $0x10, s17  }
0x39: {  	vm1 =	vgt.s32 v0, $0x0;
	s16 =	sadd.s32 $0x10, s16;
	v2 =	vmov v0;
	(ifvalue) =	ssetifvalue $0x7FFFFFFF;
	v0 =	vld.msk [tilespmem:s17+$0x0 ss:$0x1], $0xffff  }
.Ltmp4:
0x3a: {  	_ = 	snop;
	(pc) =	sbr.rel .LBB2_4-.Ltmp4, $1  }
0x3b: {  	_ =	sdelay $0x3  }
.LBB2_6:
0x3c: {  	_ =	sfence.sel $0x180000  }
0x3d: {  	s2 =	simm.s32 $0x2;
	[bflag:$0x0] =	sbarrier.arrive $0xFFFF  }
0x3e: {  	s30 =	simm.s32 $0x3;
	[sflag:s2] =	ssyncpa.u1 $0x1  }
0x3f: {  	s31 =	simm.s32 $0x1;
	[sflag:s30] =	ssyncpa.u1 $0x1  }
0x40: {  	[sflag:s31] =	ssyncpa.u1 $0x1  }
0x41: {  	p0 =	sne.s32 s1, $0x0;
	_ =	strace $0x90000050  }
0x42: {  	s0 =	sadd.s32 @!p0 $0x100000, s0;
	[bflag:$0x2] =	sbarrier.arrive $0xFFFF  }
0x43: {  	[sflag:s0] =	ssyncadd.tile.s32 @!p0 $0x1;
	_ =	shalt  }
.Lfunc_end2:
_tile_overlayer_lowered:
.L_overlay_start_2:
0x44: {  	(tag) =	ssettag $0x2  }
0x45: {  	s0 =	rddreg [dreg:$0x0];
	s2 =	stileid.u32  }
0x46: {  	s1 =	rddreg [dreg:$0x1];
	p0 =	sne.s32 s2, $0x0  }
0x47: {  	s3 =	rddreg [dreg:$0x2];
	[bflag:$0x3] =	sbarrier.arrive $0xFFFF;
	s2 =	simm.s32 @!p0 $0x1C01  }
0x48: {  	[timem:s3], [sflag:s2] =	dma.local @!p0 [hbm:s0], s1  }
0x49: {  	s0 =	simm.s32 @!p0 $0x1  }
0x4a: {  	_ =	swait.ge @!p0 [sflag:s0], s1  }
0x4b: {  	s1 =	ssub.s32 @!p0 $0x0, s1;
	[sflag:s0] =	ssyncset.done @!p0 $0x0  }
0x4c: {  	[sflag:s0] =	ssyncadd.s32 @!p0 s1  }
0x4d: {  	[bflag:$0x3] =	sbarrier.arrive $0xFFFF  }
0x4e: {  	_ =	shalt  }

// kernel: gather_offload_async_start.2
scs
__scs_entry_jumppad:
0x0: {  	(pc) =	sbr.rel $0x88, $3  }
0x1: {  	(tag) =	ssettag $0x0;
	lr =	simm.s32 $0x1  }
0x2: {  	[smem:$0x3F9B] =	sst lr;
	_ =	strace $0xD0000000  }
0x3: {  	_ = 	snop  }
0x4: {  	_ = 	snop  }
0x5: {  	_ = 	snop  }
0x6: {  	_ = 	snop  }
0x7: {  	_ = 	snop  }
__scs_overlays_trampoline_lowered:
0x8: {  	[smem:$0x3FAA] =	sst s0  }
0x9: {  	[smem:$0x3FAB] =	sst s1  }
0xa: {  	[smem:$0x3FAC] =	sst s2  }
0xb: {  	[smem:$0x3FAD] =	sst s3  }
0xc: {  	[smem:$0x3FAE] =	sst s4  }
0xd: {  	[smem:$0x3FAF] =	sst s5  }
0xe: {  	[smem:$0x3FB0] =	sst s6  }
0xf: {  	[smem:$0x3FB1] =	sst s7  }
0x10: {  	[smem:$0x3FB2] =	sst s8  }
0x11: {  	[smem:$0x3FB3] =	sst s9;
	s0 =	simm.s32 @!p0 $0x0  }
0x12: {  	s1 =	sld [smem:$0x3F99];
	s0 =	simm.s32 @p0 $0x1  }
0x13: {  	[smem:$0x3FB4] =	sst s0;
	s0 =	simm.s32 @!p1 $0x0  }
0x14: {  	s2 =	sld [smem:$0x3F98];
	s0 =	simm.s32 @p1 $0x1  }
0x15: {  	[smem:$0x3FB5] =	sst s0;
	s0 =	simm.s32 @!p2 $0x0  }
0x16: {  	s3 =	sld [smem:$0x3FDB];
	s0 =	simm.s32 @p2 $0x1  }
0x17: {  	s4 =	simm.s32 $0x1BF5;
	[smem:$0x3FB7] =	sst s0  }
0x18: {  	s0 =	sld [smem:$0x3F9A];
	_ =	swait.ge [sflag:s4], $0x0  }
0x19: {  	s7 =	sld [smem:$0x3F9B]  }
0x1a: {  	s8 =	sadd.s32 $0xFFFFE003, lr  }
0x1b: {  	s9 =	sadd.s32 $0xFFFFFEF7, lr;
	s5 =	simm.s32 $0xFFFFFFFF;
	p2 =	slt.u32 s8, $0xFFFFF086  }
0x1c: {  	p1 =	slt.u32 s9, $0xF7A;
	s5 =	simm.s32 @!p2 $0x0  }
0x1d: {  	s5 =	simm.s32 @p1 $0x1;
	p0 =	seq.s32 s7, s2  }
0x1e: {  	s7 =	smul.u32 @!p0 $0xF7A, s2;
	p2 =	seq.s32 @!p0 s5, $0x0  }
0x1f: {  	s9 =	smul.u32 $0xF7A, s1;
	s8 =	simm.s32 @!p0 $0x1BF5;
	p2 =	por !p2, p0  }
0x20: {  	[sflag:s8] =	ssyncset.s32 @!p0 $0xFFFFF086;
	s6 =	sadd.s32 @!p0 s3, s7;
	s7 =	simm.s32 @!p0 $0x108  }
0x21: {  	s3 =	sadd.s32 s3, s9;
	s6 =	sadd.s32 @!p0 $0x88, s6;
	s7 =	simm.s32 @p2 $0x1082  }
0x22: {  	[simem:s7], [sflag:s8] =	dma.local @!p0 [hbm:s6], $0xF7A  }
0x23: {  	s9 =	sor.u32 $0xD0000000, s2;
	s6 =	simm.s32 $0x108;
	_ =	swait.ge @!p0 [sflag:s8], $0x0  }
0x24: {  	s3 =	sadd.s32 $0x88, s3;
	s6 =	simm.s32 @!p1 $0x1082;
	[sflag:s4] =	ssyncset.s32 $0xFFFFF086  }
0x25: {  	[simem:s6], [sflag:s4] =	dma.local [hbm:s3], $0xF7A  }
0x26: {  	[smem:$0x3F9B] =	sst s1;
	(tag) =	ssettag s2;
	_ =	strace s9  }
0x27: {  	s1 =	sld [smem:$0x3FAB]  }
0x28: {  	s2 =	sld [smem:$0x3FAC]  }
0x29: {  	s4 =	sld [smem:$0x3FAE]  }
0x2a: {  	p0 =	seq.s32 s5, $0x0;
	s5 =	sld [smem:$0x3FAF]  }
0x2b: {  	s6 =	sld [smem:$0x3FB0]  }
0x2c: {  	s7 =	sld [smem:$0x3FB1]  }
0x2d: {  	s3 =	simm.s32 $0x108;
	s8 =	sld [smem:$0x3FB2]  }
0x2e: {  	s3 =	simm.s32 @!p0 $0x1082;
	s9 =	sld [smem:$0x3FB3]  }
0x2f: {  	lr =	sadd.s32 s0, s3;
	s0 =	sld [smem:$0x3FAA]  }
0x30: {  	s3 =	sld [smem:$0x3FAD]  }
0x31: {  	[smem:$0x3FB6] =	sst s10  }
0x32: {  	s10 =	sld [smem:$0x3FB4];
	_ =	sdelay $0x3  }
0x33: {  	p0 =	seq.s32 s10, $0x1;
	s10 =	sld [smem:$0x3FB6];
	_ =	sdelay $0x3  }
0x34: {  	[smem:$0x3FB6] =	sst s10  }
0x35: {  	s10 =	sld [smem:$0x3FB5];
	_ =	sdelay $0x3  }
0x36: {  	p1 =	seq.s32 s10, $0x1;
	s10 =	sld [smem:$0x3FB6];
	_ =	sdelay $0x3  }
0x37: {  	[smem:$0x3FB6] =	sst s10  }
0x38: {  	s10 =	sld [smem:$0x3FB7]  }
0x39: {  	_ = 	snop;
	(pc) =	sbr.ind lr, $3  }
0x3a: {  	_ = 	snop  }
0x3b: {  	_ = 	snop  }
0x3c: {  	p2 =	seq.s32 s10, $0x1;
	s10 =	sld [smem:$0x3FB6]  }
0x3d: {  	_ =	shalt  }
0x3e: {  	_ =	shalt  }
0x3f: {  	_ =	shalt  }
0x40: {  	_ =	shalt  }
0x41: {  	_ =	shalt  }
0x42: {  	_ =	shalt  }
0x43: {  	_ =	shalt  }
0x44: {  	_ =	shalt  }
0x45: {  	_ =	shalt  }
0x46: {  	_ =	shalt  }
0x47: {  	_ =	shalt  }
0x48: {  	_ =	shalt  }
0x49: {  	_ =	shalt  }
0x4a: {  	_ =	shalt  }
0x4b: {  	_ =	shalt  }
0x4c: {  	_ =	shalt  }
0x4d: {  	_ =	shalt  }
0x4e: {  	_ =	shalt  }
0x4f: {  	_ =	shalt  }
0x50: {  	_ =	shalt  }
0x51: {  	_ =	shalt  }
0x52: {  	_ =	shalt  }
0x53: {  	_ =	shalt  }
0x54: {  	_ =	shalt  }
0x55: {  	_ =	shalt  }
0x56: {  	_ =	shalt  }
0x57: {  	_ =	shalt  }
0x58: {  	_ =	shalt  }
0x59: {  	_ =	shalt  }
0x5a: {  	_ =	shalt  }
0x5b: {  	_ =	shalt  }
0x5c: {  	_ =	shalt  }
0x5d: {  	_ =	shalt  }
0x5e: {  	_ =	shalt  }
0x5f: {  	_ =	shalt  }
0x60: {  	_ =	shalt  }
0x61: {  	_ =	shalt  }
0x62: {  	_ =	shalt  }
0x63: {  	_ =	shalt  }
0x64: {  	_ =	shalt  }
0x65: {  	_ =	shalt  }
0x66: {  	_ =	shalt  }
0x67: {  	_ =	shalt  }
0x68: {  	_ =	shalt  }
0x69: {  	_ =	shalt  }
0x6a: {  	_ =	shalt  }
0x6b: {  	_ =	shalt  }
0x6c: {  	_ =	shalt  }
0x6d: {  	_ =	shalt  }
0x6e: {  	_ =	shalt  }
0x6f: {  	_ =	shalt  }
0x70: {  	_ =	shalt  }
0x71: {  	_ =	shalt  }
0x72: {  	_ =	shalt  }
0x73: {  	_ =	shalt  }
0x74: {  	_ =	shalt  }
0x75: {  	_ =	shalt  }
0x76: {  	_ =	shalt  }
0x77: {  	_ =	shalt  }
0x78: {  	_ =	shalt  }
0x79: {  	_ =	shalt  }
0x7a: {  	_ =	shalt  }
0x7b: {  	_ =	shalt  }
0x7c: {  	_ =	shalt  }
0x7d: {  	_ =	shalt  }
0x7e: {  	_ =	shalt  }
0x7f: {  	_ =	shalt  }
0x80: {  	_ =	shalt  }
0x81: {  	_ =	shalt  }
0x82: {  	_ =	shalt  }
0x83: {  	_ =	shalt  }
0x84: {  	_ =	shalt  }
0x85: {  	_ =	shalt  }
0x86: {  	_ =	shalt  }
0x87: {  	_ =	shalt  }
.Lfunc_end0:
.L_simem_size_0:
called_computation.3_lowered:
.L_overlay_start_0:
0x88: {  	s2 =	sld [smem:$0x3FD9]  }
0x89: {  	s3 =	sld [smem:$0x3FFE];
	_ =	sdelay $0x1  }
0x8a: {  	s1 =	srdreg.scid  }
0x8b: {  	s0 =	sand.u32 $0x1, s1  }
0x8c: {  	s16 =	sshll.u32 s0, $0xA;
	s2 =	sadd.s32 s3, s2  }
0x8d: {  	s2 =	sadd.s32 s2, s16  }
0x8e: {  	[smem:$0x3FC2] =	sst s2  }
0x8f: {  	_ = 	snop  }
0x90: {  	(tm) =	ssettm $0x1  }
0x91: {  	s17 =	sld [smem:$0x3FFB];
	_ =	sdelay $0x3  }
0x92: {  	_ =	strace s17  }
0x93: {  	s2 =	sld [smem:$0x3FFC];
	_ =	sdelay $0x3  }
0x94: {  	_ =	strace s2  }
0x95: {  	s2 =	sld [smem:$0x3FFD];
	_ =	sdelay $0x3  }
0x96: {  	_ =	strace s2  }
0x97: {  	_ =	strace $0x8FFFFFFF  }
0x98: {  	s18 =	sld [smem:$0x3FDB];
	_ =	sdelay $0x1  }
0x99: {  	s19 =	simm.s32 $_scs_section_size  }
0x9a: {  	s4 =	simm.s32 $_size__tile_overlayer_lowered;
	s5 =	simm.s32 $_tile_overlayer_lowered  }
0x9b: {  	s22 =	simm.s32 $0x1BFF;
	s21 =	sshll.u32 s5, $0x1;
	s2 =	sadd.s32 s19, s18  }
0x9c: {  	s6 =	simm.s32 $0x0;
	s20 =	sshll.u32 s4, $0x1;
	s4 =	sadd.s32 s21, s2  }
0x9d: {  	[timem:s6], [sflag:s22] =	dma.local [hbm:s4], s20  }
0x9e: {  	_ =	swait.ge [sflag:s22], s20  }
0x9f: {  	s3 =	ssub.s32 $0x0, s20;
	[sflag:s22] =	ssyncset.done $0x0  }
0xa0: {  	[sflag:s22] =	ssyncadd.s32 s3;
	_ =	sdelay $0x1  }
0xa1: {  	s23 =	simm.s32 $0x1B8B  }
0xa2: {  	_ =	swait.ge [sflag:s23], $0x1  }
0xa3: {  	[sflag:s23] =	ssyncset.done $0x0  }
0xa4: {  	s25 =	simm.s32 $0x1B8E;
	s24 =	sld [smem:$0x3FFE];
	[sflag:s23] =	ssyncadd.s32 $0xFFFFFFFF  }
0xa5: {  	s26 =	simm.s32 $execute0_lowered;
	[smem:$0x3FD2] =	sst s25  }
0xa6: {  	s4 =	sshll.u32 s26, $0x1;
	_ =	strace $0x80000046;
	[dreg:$0x1] =	wrdreg $0xFFFFFFFF  }
0xa7: {  	s28 =	simm.s32 $_size_execute0_lowered;
	s2 =	sadd.s32 s2, s4;
	[dreg:$0x0] =	wrdreg $0x0  }
0xa8: {  	s4 =	sshll.u32 s28, $0x1;
	[dreg:$0x2] =	wrdreg s2  }
0xa9: {  	[dreg:$0x3] =	wrdreg s4  }
0xaa: {  	[dreg:$0x4] =	wrdreg $0xC0  }
0xab: {  	_ =	task [dreg:s6], $0x5FFFF  }
0xac: {  	[dreg:$0x1] =	wrdreg $0xFFFFFFFF  }
0xad: {  	[dreg:$0x0] =	wrdreg $0x60  }
0xae: {  	[dreg:$0x2] =	wrdreg s24  }
0xaf: {  	[dreg:$0x3] =	wrdreg $0x9  }
0xb0: {  	_ =	task.clear_ibuf [dreg:s6], $0x4FFFF;
	_ =	strace $0x90000046  }
0xb1: {  	s29 =	simm.s32 $0x9;
	_ =	strace $0x80000048  }
0xb2: {  	_ =	swait.ge [sflag:s29], $0x1  }
0xb3: {  	[sflag:s29] =	ssyncadd.s32 $0xFFFFFFFF  }
0xb4: {  	_ =	strace $0x90000048  }
0xb5: {  	_ =	sfence  }
0xb6: {  	s30 =	sld [smem:$0x0];
	_ =	sdelay $0x2  }
0xb7: {  	s31 =	sshll.u32 s1, $0xD;
	s1 =	sshrl.u32 s1, $0x2  }
0xb8: {  	s3 =	sand.u32 $0x4000, s31;
	s1 =	sadd.s32 s1, s30  }
0xb9: {  	s0 =	sor.u32 s3, s0;
	s1 =	sshll.u32 s1, $0x11  }
0xba: {  	s0 =	sor.u32 s1, s0  }
0xbb: {  	s0 =	sadd.s32 $0x8F2B, s0  }
0xbc: {  	[sflag:s0] =	ssyncadd.remote.s32 $0x1  }
0xbd: {  	_ =	sfence.sel $0xFFFF  }
0xbe: {  	[dreg:$0x0] =	wrdreg $0xFFFFFFFF;
	(pc) =	sbr.abs _section_cstart, $3  }
0xbf: {  	[dreg:$0x1] =	wrdreg $0xFFFFFFFF  }
0xc0: {  	_ =	task.clear_ibuf [dreg:s6], $0x2FFFF;
	_ =	strace $0x9FFFFFFF  }
0xc1: {  	(tm) =	ssettm $0x7FFFFFFF  }
tec
execute0_lowered:
.L_overlay_start_1:
0x0: {  	(tag) =	ssettag $0x1  }
0x1: {  	s0 =	srdreg.scid;
	s5 =	rddreg [dreg:$0x0]  }
0x2: {  	s1 =	stileid.u32;
	s6 =	simm.s32 $0x1;
	s9 =	simm.s32 $0x1  }
0x3: {  	s10 =	simm.s32 $0x3;
	s13 =	simm.s32 $0x0;
	s2 =	sshll.u32 s0, $0x8  }
0x4: {  	s12 =	simm.s32 $0x0;
	s3 =	sshll.u32 s1, $0x9;
	s2 =	sand.u32 $0x100, s2  }
0x5: {  	s0 =	rddreg [dreg:$0x1];
	_ =	strace $0x80000047;
	s2 =	sor.u32 s3, s2  }
0x6: {  	s4 =	sadd.s32 $0x1600, s5;
	[sflag:s6] =	ssyncpa.u1 $0x0;
	s8 =	ssub.s32 $0x3000, s2  }
.Ltmp0:
0x7: {  	s3 =	sadd.s32 $0xE00, s5;
	s7 =	sand.u32 $0x1F00, s8;
	(pc) =	sbr.rel .LBB2_1-.Ltmp0, $4  }
0x8: {  	s5 =	sadd.s32 $0x2E00, s5;
	s11 =	smov.u32 s2;
	p0 =	sne.s32 s7, $0x0  }
0x9: {  	s8 =	sshrl.u32 s8, $0xD;
	s7 =	simm.s32 $0x2;
	s9 =	simm.s32 @!p0 $0x0  }
0xa: {  	[sflag:s7] =	ssyncpa.u1 $0x0;
	p0 =	por $0x0, $0x0;
	s8 =	sadd.s32 s9, s8  }
0xb: {  	vm0 =	vmmov $0xffff;
	[sflag:s10] =	ssyncpa.u1 $0x0;
	s10 =	simm.s32 $0x0;
	s9 =	sadd.s32 $0x1, s8  }
.LBB2_4:
0xc: {  	v2 =	vnsel vm1, $0x0, v2  }
0xd: {  	vm1 =	vgt.s32 v0, $0x0;
	v2 =	vmin.u32 v2, $0x2EDF  }
0xe: {  	v0 =	vnsel vm1, $0x0, v0  }
0xf: {  	v0 =	vmin.u32 v0, $0x2EDF  }
0x10: {  	[tilespmem:s15], [sflag:$0x1] =	stream.indirect_vreg.gather [hbm4b:s3+s10], $0x1, v1, vm0, $0x4038;
	[tilespmem:$0x400] =	vst v63  }
0x11: {  	(ifvalue) =	ssetifvalue $0x7FFFFFFF  }
0x12: {  	[tilespmem:s16], [sflag:$0x1] =	stream.indirect_vreg.gather [hbm4b:s3+s10], $0x1, v2, vm0, $0x4038;
	[tilespmem:$0x400] =	vst v63  }
0x13: {  	s29 =	sadd.s32 $0x10, s16;
	(ifvalue) =	ssetifvalue $0x7FFFFFFF  }
0x14: {  	[tilespmem:s29], [sflag:$0x1] =	stream.indirect_vreg.gather [hbm4b:s3+s10], $0x1, v0, vm0, $0x4038;
	[tilespmem:$0x400] =	vst v63  }
0x15: {  	_ =	swait.ge [sflag:s6], $0x100  }
0x16: {  	s30 =	sshrl.u32 s13, $0x3;
	[sflag:s6] =	ssyncset.done $0x0  }
0x17: {  	s31 =	sand.u32 $0x7, s13;
	s15 =	sadd.s32 s5, s30;
	[sflag:s6] =	ssyncadd.s32 $0xFFFFFF00  }
0x18: {  	[hbm4b:s15+s31] =	stream.linear.scatter [tilespmem:s14], [sflag:$0x3], $0x100, $0x38;
	[tilespmem:$0x400] =	vst v63  }
.LBB2_5:
0x19: {  	s15 =	sadd.s32 $0x2000, s11  }
0x1a: {  	p2 =	sgt.s32 s15, $0x2FFF  }
0x1b: {  	s15 =	smov.u32 @p2 s2;
	p2 =	sne.s32 s12, s9  }
.Ltmp1:
0x1c: {  	p1 =	slt.u32 s12, $0x2;
	(pc) =	sbr.rel @!p2 .LBB2_6-.Ltmp1, $4  }
0x1d: {  	s14 =	simm.s32 @!p1 $0x3  }
0x1e: {  	s16 =	sadd.s32 $0x1, s12;
	_ =	swait.ge @!p1 [sflag:s14], $0x100  }
0x1f: {  	s13 =	smov.u32 s11;
	p0 =	por !p0, !p0;
	[sflag:s14] =	ssyncset.done @!p1 $0x0  }
0x20: {  	s12 =	smov.u32 s16;
	s11 =	smov.u32 s15;
	[sflag:s14] =	ssyncadd.s32 @!p1 $0xFFFFFF00  }
.LBB2_1:
0x21: {  	p1 =	sge.u32 s12, s8  }
0x22: {  	s14 =	sxor.u32 @!p1 $0xFFFFFFFF, s12  }
0x23: {  	s31 =	sadd.s32 $0xFFFFFFFF, s12;
	s15 =	sshrl.u32 @!p1 s11, $0x3;
	s14 =	sshll.u32 @!p1 s14, $0x8  }
0x24: {  	s16 =	sand.u32 @!p1 $0x7, s11;
	s15 =	sadd.s32 @!p1 s4, s15;
	s14 =	sand.u32 @!p1 $0x100, s14  }
0x25: {  	[tilespmem:s14], [sflag:$0x2] =	stream.linear.gather @!p1 [hbm4b:s15+s16], $0x100, $0x38;
	[tilespmem:$0x400] =	vst v63  }
0x26: {  	p1 =	sge.u32 s31, s8  }
.Ltmp2:
0x27: {  	_ = 	snop;
	(pc) =	sbr.rel @p1 .LBB2_5-.Ltmp2, $1  }
0x28: {  	_ =	sdelay $0x3  }
0x29: {  	s14 =	simm.s32 $0x1  }
0x2a: {  	_ =	swait.ge [sflag:s7], $0x100;
	s14 =	simm.s32 @!p0 $0x0  }
0x2b: {  	[sflag:s7] =	ssyncset.done $0x0;
	s14 =	sshll.u32 s14, $0x8  }
0x2c: {  	[sflag:s7] =	ssyncadd.s32 $0xFFFFFF00;
	(ifvalue) =	ssetifvalue $0x7FFFFFFF;
	v0 =	vld.msk [tilespmem:s14+$0x0 ss:$0x1], $0xffff;
	_ =	sdelay $0x4  }
0x2d: {  	s15 =	sadd.s32 $0x10, s14;
	vm1 =	vgt.s32 v0, $0x0  }
0x2e: {  	v2 =	vld.msk [tilespmem:s15+$0x0 ss:$0x1], $0xffff;
	v1 =	vnsel vm1, $0x0, v0  }
0x2f: {  	v1 =	vmin.u32 v1, $0x2EDF;
	_ =	sdelay $0x1  }
0x30: {  	s16 =	sshll.u32 s12, $0x8;
	s18 =	simm.s32 $0x20  }
0x31: {  	s16 =	sand.u32 $0x100, s16;
	s17 =	sadd.s32 $0x10, s15;
	s15 =	sor.u32 $0x200, s14  }
0x32: {  	s14 =	sor.u32 $0x200, s16;
	s16 =	sadd.s32 $0x10, s15;
	v0 =	vld.msk [tilespmem:s17+$0x0 ss:$0x1], $0xffff;
	vm1 =	vgt.s32 v2, $0x0;
	(ifvalue) =	ssetifvalue $0x7FFFFFFF  }
.LBB2_3:
0x33: {  	[tilespmem:s15], [sflag:$0x1] =	stream.indirect_vreg.gather [hbm4b:s3+s10], $0x1, v1, vm0, $0x4038;
	[tilespmem:$0x400] =	vst v63  }
0x34: {  	s18 =	sadd.s32 $0x10, s18  }
0x35: {  	v2 =	vnsel vm1, $0x0, v2;
	p1 =	slt.u32 s18, $0xF0  }
.Ltmp3:
0x36: {  	s15 =	smov.u32 s16;
	v1 =	vmin.u32 v2, $0x2EDF;
	(pc) =	sbr.rel @p1 .LBB2_3-.Ltmp3, $3  }
0x37: {  	_ =	sdelay $0x1  }
0x38: {  	s17 =	sadd.s32 $0x10, s17  }
0x39: {  	vm1 =	vgt.s32 v0, $0x0;
	s16 =	sadd.s32 $0x10, s16;
	v2 =	vmov v0;
	(ifvalue) =	ssetifvalue $0x7FFFFFFF;
	v0 =	vld.msk [tilespmem:s17+$0x0 ss:$0x1], $0xffff  }
.Ltmp4:
0x3a: {  	_ = 	snop;
	(pc) =	sbr.rel .LBB2_4-.Ltmp4, $1  }
0x3b: {  	_ =	sdelay $0x3  }
.LBB2_6:
0x3c: {  	_ =	sfence.sel $0x180000  }
0x3d: {  	s2 =	simm.s32 $0x2;
	[bflag:$0x0] =	sbarrier.arrive $0xFFFF  }
0x3e: {  	s30 =	simm.s32 $0x3;
	[sflag:s2] =	ssyncpa.u1 $0x1  }
0x3f: {  	s31 =	simm.s32 $0x1;
	[sflag:s30] =	ssyncpa.u1 $0x1  }
0x40: {  	[sflag:s31] =	ssyncpa.u1 $0x1  }
0x41: {  	p0 =	sne.s32 s1, $0x0;
	_ =	strace $0x90000047  }
0x42: {  	s0 =	sadd.s32 @!p0 $0x100000, s0;
	[bflag:$0x2] =	sbarrier.arrive $0xFFFF  }
0x43: {  	[sflag:s0] =	ssyncadd.tile.s32 @!p0 $0x1;
	_ =	shalt  }
.Lfunc_end2:
_tile_overlayer_lowered:
.L_overlay_start_2:
0x44: {  	(tag) =	ssettag $0x2  }
0x45: {  	s0 =	rddreg [dreg:$0x0];
	s2 =	stileid.u32  }
0x46: {  	s1 =	rddreg [dreg:$0x1];
	p0 =	sne.s32 s2, $0x0  }
0x47: {  	s3 =	rddreg [dreg:$0x2];
	[bflag:$0x3] =	sbarrier.arrive $0xFFFF;
	s2 =	simm.s32 @!p0 $0x1C01  }
0x48: {  	[timem:s3], [sflag:s2] =	dma.local @!p0 [hbm:s0], s1  }
0x49: {  	s0 =	simm.s32 @!p0 $0x1  }
0x4a: {  	_ =	swait.ge @!p0 [sflag:s0], s1  }
0x4b: {  	s1 =	ssub.s32 @!p0 $0x0, s1;
	[sflag:s0] =	ssyncset.done @!p0 $0x0  }
0x4c: {  	[sflag:s0] =	ssyncadd.s32 @!p0 s1  }
0x4d: {  	[bflag:$0x3] =	sbarrier.arrive $0xFFFF  }
0x4e: {  	_ =	shalt  }

// kernel: gather_offload_async_start
scs
__scs_entry_jumppad:
0x0: {  	(pc) =	sbr.rel $0x88, $3  }
0x1: {  	(tag) =	ssettag $0x0;
	lr =	simm.s32 $0x1  }
0x2: {  	[smem:$0x3F9B] =	sst lr;
	_ =	strace $0xD0000000  }
0x3: {  	_ = 	snop  }
0x4: {  	_ = 	snop  }
0x5: {  	_ = 	snop  }
0x6: {  	_ = 	snop  }
0x7: {  	_ = 	snop  }
__scs_overlays_trampoline_lowered:
0x8: {  	[smem:$0x3FAA] =	sst s0  }
0x9: {  	[smem:$0x3FAB] =	sst s1  }
0xa: {  	[smem:$0x3FAC] =	sst s2  }
0xb: {  	[smem:$0x3FAD] =	sst s3  }
0xc: {  	[smem:$0x3FAE] =	sst s4  }
0xd: {  	[smem:$0x3FAF] =	sst s5  }
0xe: {  	[smem:$0x3FB0] =	sst s6  }
0xf: {  	[smem:$0x3FB1] =	sst s7  }
0x10: {  	[smem:$0x3FB2] =	sst s8  }
0x11: {  	[smem:$0x3FB3] =	sst s9;
	s0 =	simm.s32 @!p0 $0x0  }
0x12: {  	s1 =	sld [smem:$0x3F99];
	s0 =	simm.s32 @p0 $0x1  }
0x13: {  	[smem:$0x3FB4] =	sst s0;
	s0 =	simm.s32 @!p1 $0x0  }
0x14: {  	s2 =	sld [smem:$0x3F98];
	s0 =	simm.s32 @p1 $0x1  }
0x15: {  	[smem:$0x3FB5] =	sst s0;
	s0 =	simm.s32 @!p2 $0x0  }
0x16: {  	s3 =	sld [smem:$0x3FDB];
	s0 =	simm.s32 @p2 $0x1  }
0x17: {  	s4 =	simm.s32 $0x1BF5;
	[smem:$0x3FB7] =	sst s0  }
0x18: {  	s0 =	sld [smem:$0x3F9A];
	_ =	swait.ge [sflag:s4], $0x0  }
0x19: {  	s7 =	sld [smem:$0x3F9B]  }
0x1a: {  	s8 =	sadd.s32 $0xFFFFE003, lr  }
0x1b: {  	s9 =	sadd.s32 $0xFFFFFEF7, lr;
	s5 =	simm.s32 $0xFFFFFFFF;
	p2 =	slt.u32 s8, $0xFFFFF086  }
0x1c: {  	p1 =	slt.u32 s9, $0xF7A;
	s5 =	simm.s32 @!p2 $0x0  }
0x1d: {  	s5 =	simm.s32 @p1 $0x1;
	p0 =	seq.s32 s7, s2  }
0x1e: {  	s7 =	smul.u32 @!p0 $0xF7A, s2;
	p2 =	seq.s32 @!p0 s5, $0x0  }
0x1f: {  	s9 =	smul.u32 $0xF7A, s1;
	s8 =	simm.s32 @!p0 $0x1BF5;
	p2 =	por !p2, p0  }
0x20: {  	[sflag:s8] =	ssyncset.s32 @!p0 $0xFFFFF086;
	s6 =	sadd.s32 @!p0 s3, s7;
	s7 =	simm.s32 @!p0 $0x108  }
0x21: {  	s3 =	sadd.s32 s3, s9;
	s6 =	sadd.s32 @!p0 $0x88, s6;
	s7 =	simm.s32 @p2 $0x1082  }
0x22: {  	[simem:s7], [sflag:s8] =	dma.local @!p0 [hbm:s6], $0xF7A  }
0x23: {  	s9 =	sor.u32 $0xD0000000, s2;
	s6 =	simm.s32 $0x108;
	_ =	swait.ge @!p0 [sflag:s8], $0x0  }
0x24: {  	s3 =	sadd.s32 $0x88, s3;
	s6 =	simm.s32 @!p1 $0x1082;
	[sflag:s4] =	ssyncset.s32 $0xFFFFF086  }
0x25: {  	[simem:s6], [sflag:s4] =	dma.local [hbm:s3], $0xF7A  }
0x26: {  	[smem:$0x3F9B] =	sst s1;
	(tag) =	ssettag s2;
	_ =	strace s9  }
0x27: {  	s1 =	sld [smem:$0x3FAB]  }
0x28: {  	s2 =	sld [smem:$0x3FAC]  }
0x29: {  	s4 =	sld [smem:$0x3FAE]  }
0x2a: {  	p0 =	seq.s32 s5, $0x0;
	s5 =	sld [smem:$0x3FAF]  }
0x2b: {  	s6 =	sld [smem:$0x3FB0]  }
0x2c: {  	s7 =	sld [smem:$0x3FB1]  }
0x2d: {  	s3 =	simm.s32 $0x108;
	s8 =	sld [smem:$0x3FB2]  }
0x2e: {  	s3 =	simm.s32 @!p0 $0x1082;
	s9 =	sld [smem:$0x3FB3]  }
0x2f: {  	lr =	sadd.s32 s0, s3;
	s0 =	sld [smem:$0x3FAA]  }
0x30: {  	s3 =	sld [smem:$0x3FAD]  }
0x31: {  	[smem:$0x3FB6] =	sst s10  }
0x32: {  	s10 =	sld [smem:$0x3FB4];
	_ =	sdelay $0x3  }
0x33: {  	p0 =	seq.s32 s10, $0x1;
	s10 =	sld [smem:$0x3FB6];
	_ =	sdelay $0x3  }
0x34: {  	[smem:$0x3FB6] =	sst s10  }
0x35: {  	s10 =	sld [smem:$0x3FB5];
	_ =	sdelay $0x3  }
0x36: {  	p1 =	seq.s32 s10, $0x1;
	s10 =	sld [smem:$0x3FB6];
	_ =	sdelay $0x3  }
0x37: {  	[smem:$0x3FB6] =	sst s10  }
0x38: {  	s10 =	sld [smem:$0x3FB7]  }
0x39: {  	_ = 	snop;
	(pc) =	sbr.ind lr, $3  }
0x3a: {  	_ = 	snop  }
0x3b: {  	_ = 	snop  }
0x3c: {  	p2 =	seq.s32 s10, $0x1;
	s10 =	sld [smem:$0x3FB6]  }
0x3d: {  	_ =	shalt  }
0x3e: {  	_ =	shalt  }
0x3f: {  	_ =	shalt  }
0x40: {  	_ =	shalt  }
0x41: {  	_ =	shalt  }
0x42: {  	_ =	shalt  }
0x43: {  	_ =	shalt  }
0x44: {  	_ =	shalt  }
0x45: {  	_ =	shalt  }
0x46: {  	_ =	shalt  }
0x47: {  	_ =	shalt  }
0x48: {  	_ =	shalt  }
0x49: {  	_ =	shalt  }
0x4a: {  	_ =	shalt  }
0x4b: {  	_ =	shalt  }
0x4c: {  	_ =	shalt  }
0x4d: {  	_ =	shalt  }
0x4e: {  	_ =	shalt  }
0x4f: {  	_ =	shalt  }
0x50: {  	_ =	shalt  }
0x51: {  	_ =	shalt  }
0x52: {  	_ =	shalt  }
0x53: {  	_ =	shalt  }
0x54: {  	_ =	shalt  }
0x55: {  	_ =	shalt  }
0x56: {  	_ =	shalt  }
0x57: {  	_ =	shalt  }
0x58: {  	_ =	shalt  }
0x59: {  	_ =	shalt  }
0x5a: {  	_ =	shalt  }
0x5b: {  	_ =	shalt  }
0x5c: {  	_ =	shalt  }
0x5d: {  	_ =	shalt  }
0x5e: {  	_ =	shalt  }
0x5f: {  	_ =	shalt  }
0x60: {  	_ =	shalt  }
0x61: {  	_ =	shalt  }
0x62: {  	_ =	shalt  }
0x63: {  	_ =	shalt  }
0x64: {  	_ =	shalt  }
0x65: {  	_ =	shalt  }
0x66: {  	_ =	shalt  }
0x67: {  	_ =	shalt  }
0x68: {  	_ =	shalt  }
0x69: {  	_ =	shalt  }
0x6a: {  	_ =	shalt  }
0x6b: {  	_ =	shalt  }
0x6c: {  	_ =	shalt  }
0x6d: {  	_ =	shalt  }
0x6e: {  	_ =	shalt  }
0x6f: {  	_ =	shalt  }
0x70: {  	_ =	shalt  }
0x71: {  	_ =	shalt  }
0x72: {  	_ =	shalt  }
0x73: {  	_ =	shalt  }
0x74: {  	_ =	shalt  }
0x75: {  	_ =	shalt  }
0x76: {  	_ =	shalt  }
0x77: {  	_ =	shalt  }
0x78: {  	_ =	shalt  }
0x79: {  	_ =	shalt  }
0x7a: {  	_ =	shalt  }
0x7b: {  	_ =	shalt  }
0x7c: {  	_ =	shalt  }
0x7d: {  	_ =	shalt  }
0x7e: {  	_ =	shalt  }
0x7f: {  	_ =	shalt  }
0x80: {  	_ =	shalt  }
0x81: {  	_ =	shalt  }
0x82: {  	_ =	shalt  }
0x83: {  	_ =	shalt  }
0x84: {  	_ =	shalt  }
0x85: {  	_ =	shalt  }
0x86: {  	_ =	shalt  }
0x87: {  	_ =	shalt  }
.Lfunc_end0:
.L_simem_size_0:
called_computation.1_lowered:
.L_overlay_start_0:
0x88: {  	s2 =	sld [smem:$0x3FD9]  }
0x89: {  	s3 =	sld [smem:$0x3FFE];
	_ =	sdelay $0x1  }
0x8a: {  	s1 =	srdreg.scid  }
0x8b: {  	s0 =	sand.u32 $0x1, s1  }
0x8c: {  	s16 =	sshll.u32 s0, $0xA;
	s2 =	sadd.s32 s3, s2  }
0x8d: {  	s2 =	sadd.s32 s2, s16  }
0x8e: {  	[smem:$0x3FC2] =	sst s2  }
0x8f: {  	_ = 	snop  }
0x90: {  	(tm) =	ssettm $0x1  }
0x91: {  	s17 =	sld [smem:$0x3FFB];
	_ =	sdelay $0x3  }
0x92: {  	_ =	strace s17  }
0x93: {  	s2 =	sld [smem:$0x3FFC];
	_ =	sdelay $0x3  }
0x94: {  	_ =	strace s2  }
0x95: {  	s2 =	sld [smem:$0x3FFD];
	_ =	sdelay $0x3  }
0x96: {  	_ =	strace s2  }
0x97: {  	_ =	strace $0x8FFFFFFF  }
0x98: {  	s18 =	sld [smem:$0x3FDB];
	_ =	sdelay $0x1  }
0x99: {  	s19 =	simm.s32 $_scs_section_size  }
0x9a: {  	s4 =	simm.s32 $_size__tile_overlayer_lowered;
	s5 =	simm.s32 $_tile_overlayer_lowered  }
0x9b: {  	s22 =	simm.s32 $0x1BFF;
	s21 =	sshll.u32 s5, $0x1;
	s2 =	sadd.s32 s19, s18  }
0x9c: {  	s6 =	simm.s32 $0x0;
	s20 =	sshll.u32 s4, $0x1;
	s4 =	sadd.s32 s21, s2  }
0x9d: {  	[timem:s6], [sflag:s22] =	dma.local [hbm:s4], s20  }
0x9e: {  	_ =	swait.ge [sflag:s22], s20  }
0x9f: {  	s3 =	ssub.s32 $0x0, s20;
	[sflag:s22] =	ssyncset.done $0x0  }
0xa0: {  	[sflag:s22] =	ssyncadd.s32 s3;
	_ =	sdelay $0x1  }
0xa1: {  	s23 =	simm.s32 $0x1B8B  }
0xa2: {  	_ =	swait.ge [sflag:s23], $0x1  }
0xa3: {  	[sflag:s23] =	ssyncset.done $0x0  }
0xa4: {  	s25 =	simm.s32 $0x1B8E;
	s24 =	sld [smem:$0x3FFE];
	[sflag:s23] =	ssyncadd.s32 $0xFFFFFFFF  }
0xa5: {  	s26 =	simm.s32 $execute0_lowered;
	[smem:$0x3FD2] =	sst s25  }
0xa6: {  	s4 =	sshll.u32 s26, $0x1;
	_ =	strace $0x8000004C;
	[dreg:$0x1] =	wrdreg $0xFFFFFFFF  }
0xa7: {  	s28 =	simm.s32 $_size_execute0_lowered;
	s2 =	sadd.s32 s2, s4;
	[dreg:$0x0] =	wrdreg $0x0  }
0xa8: {  	s4 =	sshll.u32 s28, $0x1;
	[dreg:$0x2] =	wrdreg s2  }
0xa9: {  	[dreg:$0x3] =	wrdreg s4  }
0xaa: {  	[dreg:$0x4] =	wrdreg $0xC0  }
0xab: {  	_ =	task [dreg:s6], $0x5FFFF  }
0xac: {  	[dreg:$0x1] =	wrdreg $0xFFFFFFFF  }
0xad: {  	[dreg:$0x0] =	wrdreg $0x60  }
0xae: {  	[dreg:$0x2] =	wrdreg s24  }
0xaf: {  	[dreg:$0x3] =	wrdreg $0x9  }
0xb0: {  	_ =	task.clear_ibuf [dreg:s6], $0x4FFFF;
	_ =	strace $0x9000004C  }
0xb1: {  	s29 =	simm.s32 $0x9;
	_ =	strace $0x8000004E  }
0xb2: {  	_ =	swait.ge [sflag:s29], $0x1  }
0xb3: {  	[sflag:s29] =	ssyncadd.s32 $0xFFFFFFFF  }
0xb4: {  	_ =	strace $0x9000004E  }
0xb5: {  	_ =	sfence  }
0xb6: {  	s30 =	sld [smem:$0x0];
	_ =	sdelay $0x2  }
0xb7: {  	s31 =	sshll.u32 s1, $0xD;
	s1 =	sshrl.u32 s1, $0x2  }
0xb8: {  	s3 =	sand.u32 $0x4000, s31;
	s1 =	sadd.s32 s1, s30  }
0xb9: {  	s0 =	sor.u32 s3, s0;
	s1 =	sshll.u32 s1, $0x11  }
0xba: {  	s0 =	sor.u32 s1, s0  }
0xbb: {  	s0 =	sadd.s32 $0x8F2B, s0  }
0xbc: {  	[sflag:s0] =	ssyncadd.remote.s32 $0x1  }
0xbd: {  	_ =	sfence.sel $0xFFFF  }
0xbe: {  	[dreg:$0x0] =	wrdreg $0xFFFFFFFF;
	(pc) =	sbr.abs _section_cstart, $3  }
0xbf: {  	[dreg:$0x1] =	wrdreg $0xFFFFFFFF  }
0xc0: {  	_ =	task.clear_ibuf [dreg:s6], $0x2FFFF;
	_ =	strace $0x9FFFFFFF  }
0xc1: {  	(tm) =	ssettm $0x7FFFFFFF  }
tec
execute0_lowered:
.L_overlay_start_1:
0x0: {  	(tag) =	ssettag $0x1  }
0x1: {  	s8 =	rddreg [dreg:$0x0]  }
0x2: {  	s0 =	rddreg [dreg:$0x1];
	_ =	strace $0x8000004D;
	s1 =	stileid.u32  }
0x3: {  	s3 =	srdreg.scid;
	s4 =	simm.s32 $0x1;
	s7 =	simm.s32 $0x1  }
0x4: {  	s9 =	simm.s32 $0x1;
	s10 =	simm.s32 $0x3;
	s13 =	simm.s32 $0x0  }
0x5: {  	s12 =	simm.s32 $0x0;
	s5 =	sand.u32 $0x1, s3;
	s6 =	sshll.u32 s1, $0x1  }
0x6: {  	s2 =	sadd.s32 $0x3600, s8;
	s3 =	sadd.s32 $0x1C00, s8;
	s5 =	sor.u32 s6, s5  }
.Ltmp0:
0x7: {  	[sflag:s4] =	ssyncpa.u1 $0x0;
	p0 =	slt.u32 s5, $0x13;
	(pc) =	sbr.rel .LBB2_1-.Ltmp0, $4  }
0x8: {  	s6 =	simm.s32 $0x2;
	s7 =	simm.s32 @!p0 $0x0;
	p0 =	sne.s32 s5, $0x12  }
0x9: {  	[sflag:s6] =	ssyncpa.u1 $0x0;
	s5 =	smul.u32 $0xF0, s5;
	s9 =	simm.s32 @!p0 $0x0  }
0xa: {  	s8 =	sadd.s32 $0xE00, s8;
	[sflag:s10] =	ssyncpa.u1 $0x0;
	s7 =	sadd.s32 s9, s7  }
0xb: {  	vm0 =	vmmov $0xffff;
	s10 =	simm.s32 $0x0;
	s11 =	smov.u32 s5;
	s9 =	sadd.s32 $0x1, s7  }
.LBB2_4:
0xc: {  	v2 =	vnsel vm1, $0x0, v2  }
0xd: {  	vm1 =	vgt.s32 v0, $0x0;
	v2 =	vmin.u32 v2, $0xD13FF  }
0xe: {  	v0 =	vnsel vm1, $0x0, v0  }
0xf: {  	v0 =	vmin.u32 v0, $0xD13FF  }
0x10: {  	[tilespmem:s18], [sflag:$0x1] =	stream.indirect_vreg.gather [hbm4b:s2+s10], $0x1, v1, vm0, $0x4038;
	[tilespmem:$0x3C0] =	vst v63  }
0x11: {  	(ifvalue) =	ssetifvalue $0x7FFFFFFF  }
0x12: {  	[tilespmem:s15], [sflag:$0x1] =	stream.indirect_vreg.gather [hbm4b:s2+s10], $0x1, v2, vm0, $0x4038;
	[tilespmem:$0x3C0] =	vst v63  }
0x13: {  	s29 =	sadd.s32 $0x10, s15;
	(ifvalue) =	ssetifvalue $0x7FFFFFFF  }
0x14: {  	[tilespmem:s29], [sflag:$0x1] =	stream.indirect_vreg.gather [hbm4b:s2+s10], $0x1, v0, vm0, $0x4038;
	[tilespmem:$0x3C0] =	vst v63  }
0x15: {  	_ =	swait.ge [sflag:s4], $0xF0  }
0x16: {  	s30 =	sshrl.u32 s13, $0x3;
	[sflag:s4] =	ssyncset.done $0x0  }
0x17: {  	s31 =	sand.u32 $0x7, s13;
	s15 =	sadd.s32 s8, s30;
	[sflag:s4] =	ssyncadd.s32 $0xFFFFFF10  }
0x18: {  	[hbm4b:s15+s31] =	stream.linear.scatter [tilespmem:s14], [sflag:$0x3], $0xF0, $0x38;
	[tilespmem:$0x3C0] =	vst v63  }
.LBB2_5:
0x19: {  	s15 =	sadd.s32 $0x1E00, s11  }
0x1a: {  	p1 =	sgt.s32 s15, $0x2EDF  }
0x1b: {  	s15 =	smov.u32 @p1 s5;
	p1 =	sne.s32 s12, s9  }
.Ltmp1:
0x1c: {  	p0 =	slt.u32 s12, $0x2;
	(pc) =	sbr.rel @!p1 .LBB2_6-.Ltmp1, $4  }
0x1d: {  	s14 =	simm.s32 @!p0 $0x3  }
0x1e: {  	_ =	swait.ge @!p0 [sflag:s14], $0xF0  }
0x1f: {  	s16 =	sadd.s32 $0x1, s12;
	s13 =	smov.u32 s11;
	[sflag:s14] =	ssyncset.done @!p0 $0x0  }
0x20: {  	s12 =	smov.u32 s16;
	s11 =	smov.u32 s15;
	[sflag:s14] =	ssyncadd.s32 @!p0 $0xFFFFFF10  }
.LBB2_1:
0x21: {  	p0 =	sge.u32 s12, s7  }
0x22: {  	s14 =	sxor.u32 @!p0 $0x1, s12  }
0x23: {  	s14 =	smul.u32 @!p0 $0x3C0, s14  }
0x24: {  	s31 =	sadd.s32 $0xFFFFFFFF, s12;
	s15 =	sshrl.u32 @!p0 s11, $0x3  }
0x25: {  	s16 =	sand.u32 @!p0 $0x7, s11;
	s15 =	sadd.s32 @!p0 s3, s15;
	s14 =	sshra.s32 @!p0 s14, $0x2  }
0x26: {  	[tilespmem:s14], [sflag:$0x2] =	stream.linear.gather @!p0 [hbm4b:s15+s16], $0xF0, $0x38;
	[tilespmem:$0x3C0] =	vst v63  }
0x27: {  	p0 =	sge.u32 s31, s7  }
.Ltmp2:
0x28: {  	_ = 	snop;
	(pc) =	sbr.rel @p0 .LBB2_5-.Ltmp2, $1  }
0x29: {  	_ =	sdelay $0x3  }
0x2a: {  	s14 =	sand.u32 $0x1, s12  }
0x2b: {  	_ =	swait.ge [sflag:s6], $0xF0;
	p0 =	seq.s32 s14, $0x1;
	s14 =	simm.s32 $0xF0  }
0x2c: {  	[sflag:s6] =	ssyncset.done $0x0;
	s14 =	simm.s32 @!p0 $0x0  }
0x2d: {  	[sflag:s6] =	ssyncadd.s32 $0xFFFFFF10;
	(ifvalue) =	ssetifvalue $0x7FFFFFFF;
	v0 =	vld.msk [tilespmem:s14+$0x0 ss:$0x1], $0xffff;
	_ =	sdelay $0x4  }
0x2e: {  	s15 =	sadd.s32 $0x10, s14;
	vm1 =	vgt.s32 v0, $0x0  }
0x2f: {  	v2 =	vld.msk [tilespmem:s15+$0x0 ss:$0x1], $0xffff;
	v1 =	vnsel vm1, $0x0, v0  }
0x30: {  	v1 =	vmin.u32 v1, $0xD13FF;
	_ =	sdelay $0x2  }
0x31: {  	s17 =	simm.s32 $0x20;
	s14 =	sadd.s32 $0x1E0, s14;
	s16 =	sadd.s32 $0x10, s15  }
0x32: {  	s15 =	sadd.s32 $0x10, s14;
	s18 =	smov.u32 s14;
	v0 =	vld.msk [tilespmem:s16+$0x0 ss:$0x1], $0xffff;
	vm1 =	vgt.s32 v2, $0x0;
	(ifvalue) =	ssetifvalue $0x7FFFFFFF  }
.LBB2_3:
0x33: {  	[tilespmem:s18], [sflag:$0x1] =	stream.indirect_vreg.gather [hbm4b:s2+s10], $0x1, v1, vm0, $0x4038;
	[tilespmem:$0x3C0] =	vst v63  }
0x34: {  	s17 =	sadd.s32 $0x10, s17  }
0x35: {  	v2 =	vnsel vm1, $0x0, v2;
	p0 =	slt.u32 s17, $0xE0  }
.Ltmp3:
0x36: {  	s18 =	smov.u32 s15;
	v1 =	vmin.u32 v2, $0xD13FF;
	(pc) =	sbr.rel @p0 .LBB2_3-.Ltmp3, $3  }
0x37: {  	_ =	sdelay $0x1  }
0x38: {  	s16 =	sadd.s32 $0x10, s16  }
0x39: {  	vm1 =	vgt.s32 v0, $0x0;
	s15 =	sadd.s32 $0x10, s15;
	v2 =	vmov v0;
	(ifvalue) =	ssetifvalue $0x7FFFFFFF;
	v0 =	vld.msk [tilespmem:s16+$0x0 ss:$0x1], $0xffff  }
.Ltmp4:
0x3a: {  	_ = 	snop;
	(pc) =	sbr.rel .LBB2_4-.Ltmp4, $1  }
0x3b: {  	_ =	sdelay $0x3  }
.LBB2_6:
0x3c: {  	_ =	sfence.sel $0x180000  }
0x3d: {  	s2 =	simm.s32 $0x2;
	[bflag:$0x0] =	sbarrier.arrive $0xFFFF  }
0x3e: {  	s30 =	simm.s32 $0x3;
	[sflag:s2] =	ssyncpa.u1 $0x1  }
0x3f: {  	s31 =	simm.s32 $0x1;
	[sflag:s30] =	ssyncpa.u1 $0x1  }
0x40: {  	[sflag:s31] =	ssyncpa.u1 $0x1  }
0x41: {  	p0 =	sne.s32 s1, $0x0;
	_ =	strace $0x9000004D  }
0x42: {  	s0 =	sadd.s32 @!p0 $0x100000, s0;
	[bflag:$0x2] =	sbarrier.arrive $0xFFFF  }
0x43: {  	[sflag:s0] =	ssyncadd.tile.s32 @!p0 $0x1;
	_ =	shalt  }
.Lfunc_end2:
_tile_overlayer_lowered:
.L_overlay_start_2:
0x44: {  	(tag) =	ssettag $0x2  }
0x45: {  	s0 =	rddreg [dreg:$0x0];
	s2 =	stileid.u32  }
0x46: {  	s1 =	rddreg [dreg:$0x1];
	p0 =	sne.s32 s2, $0x0  }
0x47: {  	s3 =	rddreg [dreg:$0x2];
	[bflag:$0x3] =	sbarrier.arrive $0xFFFF;
	s2 =	simm.s32 @!p0 $0x1C01  }
0x48: {  	[timem:s3], [sflag:s2] =	dma.local @!p0 [hbm:s0], s1  }
0x49: {  	s0 =	simm.s32 @!p0 $0x1  }
0x4a: {  	_ =	swait.ge @!p0 [sflag:s0], s1  }
0x4b: {  	s1 =	ssub.s32 @!p0 $0x0, s1;
	[sflag:s0] =	ssyncset.done @!p0 $0x0  }
0x4c: {  	[sflag:s0] =	ssyncadd.s32 @!p0 s1  }
0x4d: {  	[bflag:$0x3] =	sbarrier.arrive $0xFFFF  }
0x4e: {  	_ =	shalt  }

// kernel: kernel.4.cloned.1.call-start
scs
__scs_entry_jumppad:
0x0: {  	(pc) =	sbr.rel $0x88, $3  }
0x1: {  	(tag) =	ssettag $0x0;
	lr =	simm.s32 $0x1  }
0x2: {  	[smem:$0x3F9B] =	sst lr;
	_ =	strace $0xD0000000  }
0x3: {  	_ = 	snop  }
0x4: {  	_ = 	snop  }
0x5: {  	_ = 	snop  }
0x6: {  	_ = 	snop  }
0x7: {  	_ = 	snop  }
__scs_overlays_trampoline_lowered:
0x8: {  	[smem:$0x3FAA] =	sst s0  }
0x9: {  	[smem:$0x3FAB] =	sst s1  }
0xa: {  	[smem:$0x3FAC] =	sst s2  }
0xb: {  	[smem:$0x3FAD] =	sst s3  }
0xc: {  	[smem:$0x3FAE] =	sst s4  }
0xd: {  	[smem:$0x3FAF] =	sst s5  }
0xe: {  	[smem:$0x3FB0] =	sst s6  }
0xf: {  	[smem:$0x3FB1] =	sst s7  }
0x10: {  	[smem:$0x3FB2] =	sst s8  }
0x11: {  	[smem:$0x3FB3] =	sst s9;
	s0 =	simm.s32 @!p0 $0x0  }
0x12: {  	s1 =	sld [smem:$0x3F99];
	s0 =	simm.s32 @p0 $0x1  }
0x13: {  	[smem:$0x3FB4] =	sst s0;
	s0 =	simm.s32 @!p1 $0x0  }
0x14: {  	s2 =	sld [smem:$0x3F98];
	s0 =	simm.s32 @p1 $0x1  }
0x15: {  	[smem:$0x3FB5] =	sst s0;
	s0 =	simm.s32 @!p2 $0x0  }
0x16: {  	s3 =	sld [smem:$0x3FDB];
	s0 =	simm.s32 @p2 $0x1  }
0x17: {  	s4 =	simm.s32 $0x1BF5;
	[smem:$0x3FB7] =	sst s0  }
0x18: {  	s0 =	sld [smem:$0x3F9A];
	_ =	swait.ge [sflag:s4], $0x0  }
0x19: {  	s7 =	sld [smem:$0x3F9B]  }
0x1a: {  	s8 =	sadd.s32 $0xFFFFE003, lr  }
0x1b: {  	s9 =	sadd.s32 $0xFFFFFEF7, lr;
	s5 =	simm.s32 $0xFFFFFFFF;
	p2 =	slt.u32 s8, $0xFFFFF086  }
0x1c: {  	p1 =	slt.u32 s9, $0xF7A;
	s5 =	simm.s32 @!p2 $0x0  }
0x1d: {  	s5 =	simm.s32 @p1 $0x1;
	p0 =	seq.s32 s7, s2  }
0x1e: {  	s7 =	smul.u32 @!p0 $0xF7A, s2;
	p2 =	seq.s32 @!p0 s5, $0x0  }
0x1f: {  	s9 =	smul.u32 $0xF7A, s1;
	s8 =	simm.s32 @!p0 $0x1BF5;
	p2 =	por !p2, p0  }
0x20: {  	[sflag:s8] =	ssyncset.s32 @!p0 $0xFFFFF086;
	s6 =	sadd.s32 @!p0 s3, s7;
	s7 =	simm.s32 @!p0 $0x108  }
0x21: {  	s3 =	sadd.s32 s3, s9;
	s6 =	sadd.s32 @!p0 $0x88, s6;
	s7 =	simm.s32 @p2 $0x1082  }
0x22: {  	[simem:s7], [sflag:s8] =	dma.local @!p0 [hbm:s6], $0xF7A  }
0x23: {  	s9 =	sor.u32 $0xD0000000, s2;
	s6 =	simm.s32 $0x108;
	_ =	swait.ge @!p0 [sflag:s8], $0x0  }
0x24: {  	s3 =	sadd.s32 $0x88, s3;
	s6 =	simm.s32 @!p1 $0x1082;
	[sflag:s4] =	ssyncset.s32 $0xFFFFF086  }
0x25: {  	[simem:s6], [sflag:s4] =	dma.local [hbm:s3], $0xF7A  }
0x26: {  	[smem:$0x3F9B] =	sst s1;
	(tag) =	ssettag s2;
	_ =	strace s9  }
0x27: {  	s1 =	sld [smem:$0x3FAB]  }
0x28: {  	s2 =	sld [smem:$0x3FAC]  }
0x29: {  	s4 =	sld [smem:$0x3FAE]  }
0x2a: {  	p0 =	seq.s32 s5, $0x0;
	s5 =	sld [smem:$0x3FAF]  }
0x2b: {  	s6 =	sld [smem:$0x3FB0]  }
0x2c: {  	s7 =	sld [smem:$0x3FB1]  }
0x2d: {  	s3 =	simm.s32 $0x108;
	s8 =	sld [smem:$0x3FB2]  }
0x2e: {  	s3 =	simm.s32 @!p0 $0x1082;
	s9 =	sld [smem:$0x3FB3]  }
0x2f: {  	lr =	sadd.s32 s0, s3;
	s0 =	sld [smem:$0x3FAA]  }
0x30: {  	s3 =	sld [smem:$0x3FAD]  }
0x31: {  	[smem:$0x3FB6] =	sst s10  }
0x32: {  	s10 =	sld [smem:$0x3FB4];
	_ =	sdelay $0x3  }
0x33: {  	p0 =	seq.s32 s10, $0x1;
	s10 =	sld [smem:$0x3FB6];
	_ =	sdelay $0x3  }
0x34: {  	[smem:$0x3FB6] =	sst s10  }
0x35: {  	s10 =	sld [smem:$0x3FB5];
	_ =	sdelay $0x3  }
0x36: {  	p1 =	seq.s32 s10, $0x1;
	s10 =	sld [smem:$0x3FB6];
	_ =	sdelay $0x3  }
0x37: {  	[smem:$0x3FB6] =	sst s10  }
0x38: {  	s10 =	sld [smem:$0x3FB7]  }
0x39: {  	_ = 	snop;
	(pc) =	sbr.ind lr, $3  }
0x3a: {  	_ = 	snop  }
0x3b: {  	_ = 	snop  }
0x3c: {  	p2 =	seq.s32 s10, $0x1;
	s10 =	sld [smem:$0x3FB6]  }
0x3d: {  	_ =	shalt  }
0x3e: {  	_ =	shalt  }
0x3f: {  	_ =	shalt  }
0x40: {  	_ =	shalt  }
0x41: {  	_ =	shalt  }
0x42: {  	_ =	shalt  }
0x43: {  	_ =	shalt  }
0x44: {  	_ =	shalt  }
0x45: {  	_ =	shalt  }
0x46: {  	_ =	shalt  }
0x47: {  	_ =	shalt  }
0x48: {  	_ =	shalt  }
0x49: {  	_ =	shalt  }
0x4a: {  	_ =	shalt  }
0x4b: {  	_ =	shalt  }
0x4c: {  	_ =	shalt  }
0x4d: {  	_ =	shalt  }
0x4e: {  	_ =	shalt  }
0x4f: {  	_ =	shalt  }
0x50: {  	_ =	shalt  }
0x51: {  	_ =	shalt  }
0x52: {  	_ =	shalt  }
0x53: {  	_ =	shalt  }
0x54: {  	_ =	shalt  }
0x55: {  	_ =	shalt  }
0x56: {  	_ =	shalt  }
0x57: {  	_ =	shalt  }
0x58: {  	_ =	shalt  }
0x59: {  	_ =	shalt  }
0x5a: {  	_ =	shalt  }
0x5b: {  	_ =	shalt  }
0x5c: {  	_ =	shalt  }
0x5d: {  	_ =	shalt  }
0x5e: {  	_ =	shalt  }
0x5f: {  	_ =	shalt  }
0x60: {  	_ =	shalt  }
0x61: {  	_ =	shalt  }
0x62: {  	_ =	shalt  }
0x63: {  	_ =	shalt  }
0x64: {  	_ =	shalt  }
0x65: {  	_ =	shalt  }
0x66: {  	_ =	shalt  }
0x67: {  	_ =	shalt  }
0x68: {  	_ =	shalt  }
0x69: {  	_ =	shalt  }
0x6a: {  	_ =	shalt  }
0x6b: {  	_ =	shalt  }
0x6c: {  	_ =	shalt  }
0x6d: {  	_ =	shalt  }
0x6e: {  	_ =	shalt  }
0x6f: {  	_ =	shalt  }
0x70: {  	_ =	shalt  }
0x71: {  	_ =	shalt  }
0x72: {  	_ =	shalt  }
0x73: {  	_ =	shalt  }
0x74: {  	_ =	shalt  }
0x75: {  	_ =	shalt  }
0x76: {  	_ =	shalt  }
0x77: {  	_ =	shalt  }
0x78: {  	_ =	shalt  }
0x79: {  	_ =	shalt  }
0x7a: {  	_ =	shalt  }
0x7b: {  	_ =	shalt  }
0x7c: {  	_ =	shalt  }
0x7d: {  	_ =	shalt  }
0x7e: {  	_ =	shalt  }
0x7f: {  	_ =	shalt  }
0x80: {  	_ =	shalt  }
0x81: {  	_ =	shalt  }
0x82: {  	_ =	shalt  }
0x83: {  	_ =	shalt  }
0x84: {  	_ =	shalt  }
0x85: {  	_ =	shalt  }
0x86: {  	_ =	shalt  }
0x87: {  	_ =	shalt  }
.Lfunc_end0:
.L_simem_size_0:
called_computation.4_lowered:
.L_overlay_start_0:
0x88: {  	s2 =	sld [smem:$0x3FD9]  }
0x89: {  	s3 =	sld [smem:$0x3FFE];
	_ =	sdelay $0x1  }
0x8a: {  	s1 =	srdreg.scid  }
0x8b: {  	s0 =	sand.u32 $0x1, s1  }
0x8c: {  	s17 =	sshll.u32 s0, $0xA;
	s2 =	sadd.s32 s3, s2  }
0x8d: {  	s2 =	sadd.s32 s2, s17  }
0x8e: {  	[smem:$0x3FC2] =	sst s2  }
0x8f: {  	_ = 	snop  }
0x90: {  	s2 =	sld [smem:$0x3FD0];
	(tm) =	ssettm $0x1  }
0x91: {  	s18 =	sld [smem:$0x3FFB];
	_ =	sdelay $0x3  }
0x92: {  	_ =	strace s18  }
0x93: {  	s3 =	sld [smem:$0x3FFC];
	_ =	sdelay $0x3  }
0x94: {  	_ =	strace s3  }
0x95: {  	s3 =	sld [smem:$0x3FFD];
	_ =	sdelay $0x3  }
0x96: {  	_ =	strace s3  }
0x97: {  	_ =	strace $0x8FFFFFFF  }
0x98: {  	s19 =	sld [smem:$0x3FDB];
	_ =	sdelay $0x1  }
0x99: {  	s4 =	simm.s32 $_scs_section_size  }
0x9a: {  	s5 =	simm.s32 $_size__tile_overlayer_lowered;
	s6 =	simm.s32 $_tile_overlayer_lowered  }
0x9b: {  	s22 =	simm.s32 $0x1BFF;
	s21 =	sshll.u32 s6, $0x1;
	s3 =	sadd.s32 s4, s19  }
0x9c: {  	s7 =	simm.s32 $0x0;
	s20 =	sshll.u32 s5, $0x1;
	s5 =	sadd.s32 s21, s3  }
0x9d: {  	[timem:s7], [sflag:s22] =	dma.local [hbm:s5], s20  }
0x9e: {  	_ =	swait.ge [sflag:s22], s20  }
0x9f: {  	s4 =	ssub.s32 $0x0, s20;
	[sflag:s22] =	ssyncset.done $0x0  }
0xa0: {  	[sflag:s22] =	ssyncadd.s32 s4;
	_ =	sdelay $0x1  }
0xa1: {  	s23 =	simm.s32 $0x1B8B  }
0xa2: {  	_ =	swait.ge [sflag:s23], $0x1  }
0xa3: {  	[sflag:s23] =	ssyncset.done $0x0  }
0xa4: {  	s25 =	simm.s32 $0x1B8E;
	s24 =	sld [smem:$0x3FFE];
	[sflag:s23] =	ssyncadd.s32 $0xFFFFFFFF  }
0xa5: {  	s26 =	simm.s32 $execute0_lowered;
	[smem:$0x3FD2] =	sst s25  }
0xa6: {  	s5 =	sshll.u32 s26, $0x1;
	_ =	strace $0x80000052;
	[dreg:$0x1] =	wrdreg $0xFFFFFFFF  }
0xa7: {  	s28 =	simm.s32 $_size_execute0_lowered;
	s3 =	sadd.s32 s3, s5;
	[dreg:$0x0] =	wrdreg $0x0  }
0xa8: {  	s5 =	sshll.u32 s28, $0x1;
	[dreg:$0x2] =	wrdreg s3  }
0xa9: {  	[dreg:$0x3] =	wrdreg s5  }
0xaa: {  	[dreg:$0x4] =	wrdreg $0xC0  }
0xab: {  	_ =	task [dreg:s7], $0x5FFFF  }
0xac: {  	[dreg:$0x1] =	wrdreg $0xFFFFFFFF  }
0xad: {  	[dreg:$0x0] =	wrdreg $0x60  }
0xae: {  	[dreg:$0x2] =	wrdreg s24  }
0xaf: {  	[dreg:$0x3] =	wrdreg s2  }
0xb0: {  	[dreg:$0x4] =	wrdreg $0x9  }
0xb1: {  	_ =	task.clear_ibuf [dreg:s7], $0x5FFFF;
	_ =	strace $0x90000052  }
0xb2: {  	s29 =	simm.s32 $0x9;
	_ =	strace $0x80000054  }
0xb3: {  	_ =	swait.ge [sflag:s29], $0x1  }
0xb4: {  	[sflag:s29] =	ssyncadd.s32 $0xFFFFFFFF  }
0xb5: {  	_ =	strace $0x90000054  }
0xb6: {  	_ =	sfence  }
0xb7: {  	s30 =	sld [smem:$0x0];
	_ =	sdelay $0x2  }
0xb8: {  	s31 =	sshll.u32 s1, $0xD;
	s1 =	sshrl.u32 s1, $0x2  }
0xb9: {  	s3 =	sand.u32 $0x4000, s31;
	s1 =	sadd.s32 s1, s30  }
0xba: {  	s0 =	sor.u32 s3, s0;
	s1 =	sshll.u32 s1, $0x11  }
0xbb: {  	s0 =	sor.u32 s1, s0  }
0xbc: {  	s0 =	sadd.s32 $0x8F2B, s0  }
0xbd: {  	[sflag:s0] =	ssyncadd.remote.s32 $0x1  }
0xbe: {  	_ =	sfence.sel $0xFFFF  }
0xbf: {  	[dreg:$0x0] =	wrdreg $0xFFFFFFFF;
	(pc) =	sbr.abs _section_cstart, $3  }
0xc0: {  	[dreg:$0x1] =	wrdreg $0xFFFFFFFF  }
0xc1: {  	_ =	task.clear_ibuf [dreg:s7], $0x2FFFF;
	_ =	strace $0x9FFFFFFF  }
0xc2: {  	(tm) =	ssettm $0x7FFFFFFF  }
0xc3: {  	_ =	shalt  }
tec
execute0_lowered:
.L_overlay_start_1:
0x0: {  	(tag) =	ssettag $0x1  }
0x1: {  	s5 =	rddreg [dreg:$0x0];
	s1 =	srdreg.scid  }
0x2: {  	s0 =	stileid.u32;
	s2 =	rddreg [dreg:$0x1]  }
0x3: {  	s3 =	simm.s32 $0x0;
	s10 =	simm.s32 $0xC200;
	s11 =	simm.s32 $0x18200  }
0x4: {  	s12 =	simm.s32 $0x80;
	s13 =	simm.s32 $0x200;
	s14 =	simm.s32 $0x4200  }
0x5: {  	s15 =	simm.s32 $0x100;
	s16 =	simm.s32 $0x8200;
	s17 =	simm.s32 $0x1  }
0x6: {  	s18 =	simm.s32 $0x2;
	s4 =	sand.u32 $0x1, s1;
	s1 =	rddreg [dreg:$0x2]  }
0x7: {  	s19 =	simm.s32 $0x0;
	s6 =	sshll.u32 s0, $0x1;
	[smem:$0x7FF] =	sst s3  }
0x8: {  	s6 =	sor.u32 s4, s6;
	_ =	strace $0x80000053;
	s8 =	ssub.s32 $0x2, s4  }
0x9: {  	s7 =	smul.u32 $0xC00, s6;
	s6 =	sshll.u32 s6, $0x6;
	s9 =	sshrl.u32 s8, $0x1  }
0xa: {  	s4 =	sadd.s32 $0x3400, s5;
	s6 =	sadd.s32 s6, s5;
	s8 =	ssub.s32 s8, s9  }
0xb: {  	s9 =	simm.s32 $0x3;
	s7 =	sadd.s32 s7, s5;
	s5 =	sadd.s32 $0x35A00, s5  }
0xc: {  	s6 =	sadd.s32 $0x1400, s6;
	s8 =	smax.u32 s8, $0x1;
	s7 =	sadd.s32 $0x1DA00, s7  }
.LBB2_1:
0xd: {  	[tilespmem:s3], [sflag:$0x3] =	stream.linear.gather [hbm4b:s6+s3], $0x180, $0x38;
	[tilespmem:$0x18300] =	vst v63  }
0xe: {  	_ =	swait.ge [sflag:s9], $0x180  }
0xf: {  	[sflag:s9] =	ssyncset.done $0x0  }
0x10: {  	[sflag:s9] =	ssyncadd.s32 $0xFFFFFE80  }
0x11: {  	[tilespmem:s10], [sflag:$0x3] =	stream.linear.gather [hbm4b:s7+s3], $0x6000, $0x38;
	[tilespmem:$0x18300] =	vst v63  }
0x12: {  	_ =	swait.ge [sflag:s9], $0x6000  }
0x13: {  	[sflag:s9] =	ssyncset.done $0x0  }
0x14: {  	[sflag:s9] =	ssyncadd.s32 $0xFFFFA000  }
0x15: {  	[tilespmem:s11], [sflag:$0x3] =	stream.linear.gather [hbm4b:s4+s3], $0x100, $0x38;
	[tilespmem:$0x18300] =	vst v63  }
0x16: {  	_ =	swait.ge [sflag:s9], $0x100  }
0x17: {  	[sflag:s9] =	ssyncset.done $0x0  }
0x18: {  	[sflag:s9] =	ssyncadd.s32 $0xFFFFFF00  }
0x19: {  	[tilespmem:s13], [sflag:$0x1] =	stream.indirect.gather [hbm4b:s2+s12], $0x80, s3, s12, $0xb8;
	[tilespmem:$0x18300] =	vst v63  }
0x1a: {  	_ = 	snop  }
0x1b: {  	[tilespmem:s14], [sflag:$0x1] =	stream.indirect.gather [hbm4b:s2+s12], $0x80, s12, s12, $0xb8;
	[tilespmem:$0x18300] =	vst v63  }
0x1c: {  	_ = 	snop  }
0x1d: {  	[tilespmem:s16], [sflag:$0x1] =	stream.indirect.gather [hbm4b:s2+s12], $0x80, s15, s12, $0xb8;
	[tilespmem:$0x18300] =	vst v63  }
0x1e: {  	_ =	swait.ge [sflag:s17], $0x4000  }
0x1f: {  	[sflag:s17] =	ssyncset.done $0x0  }
0x20: {  	[sflag:s17] =	ssyncadd.s32 $0xFFFFC000  }
0x21: {  	_ =	swait.ge [sflag:s17], $0x4000  }
0x22: {  	[sflag:s17] =	ssyncset.done $0x0  }
0x23: {  	[sflag:s17] =	ssyncadd.s32 $0xFFFFC000  }
0x24: {  	_ =	swait.ge [sflag:s17], $0x4000  }
0x25: {  	[sflag:s17] =	ssyncset.done $0x0  }
0x26: {  	[sflag:s17] =	ssyncadd.s32 $0xFFFFC000  }
0x27: {  	s20 =	simm.s32 $0x280;
	v0 =	vld [tilespmem:$0x18200]  }
0x28: {  	v3 =	vld [tilespmem:s20+$0xFFFFFF80]  }
0x29: {  	v4 =	vld [tilespmem:s20+$0xFFFFFFC0];
	_ =	sdelay $0x2  }
0x2a: {  	v1 =	vld [tilespmem:$0x18280];
	_ =	sdelay $0x1  }
0x2b: {  	v5 =	vmul.f32 v3, v0;
	v6 =	vmul.f32 v4, v0  }
0x2c: {  	v2 =	vld [tilespmem:$0x18210]  }
0x2d: {  	v7 =	vld [tilespmem:$0x182A0];
	v5 =	vmax.f32 v5, v6  }
0x2e: {  	v4 =	vld [tilespmem:$0x18220];
	v8 =	vadd.f32 v5, v1  }
0x2f: {  	v3 =	vld [tilespmem:$0x18230]  }
0x30: {  	s21 =	simm.s32 $0x0;
	v6 =	vld [tilespmem:$0x18290];
	v8 =	vmax.f32 v8, $0.0e+00  }
0x31: {  	v5 =	vld [tilespmem:$0x182B0];
	[tilespmem:s21+$0x12200] =	vst v8  }
0x32: {  	v8 =	vld [tilespmem:s20+$0xFFFFFF90]  }
0x33: {  	v9 =	vld [tilespmem:s20+$0xFFFFFFD0];
	_ =	sdelay $0x4  }
0x34: {  	v8 =	vmul.f32 v8, v2;
	v9 =	vmul.f32 v9, v2;
	_ =	sdelay $0x1  }
0x35: {  	v8 =	vmax.f32 v8, v9  }
0x36: {  	v8 =	vadd.f32 v8, v6;
	_ =	sdelay $0x1  }
0x37: {  	v8 =	vmax.f32 v8, $0.0e+00  }
0x38: {  	[tilespmem:s21+$0x12210] =	vst v8  }
0x39: {  	v8 =	vld [tilespmem:s20+$0xFFFFFFA0]  }
0x3a: {  	v9 =	vld [tilespmem:s20+$0xFFFFFFE0];
	_ =	sdelay $0x4  }
0x3b: {  	v8 =	vmul.f32 v8, v4;
	v9 =	vmul.f32 v9, v4;
	_ =	sdelay $0x1  }
0x3c: {  	v8 =	vmax.f32 v8, v9  }
0x3d: {  	v8 =	vadd.f32 v8, v7;
	_ =	sdelay $0x1  }
0x3e: {  	v8 =	vmax.f32 v8, $0.0e+00  }
0x3f: {  	[tilespmem:s21+$0x12220] =	vst v8  }
0x40: {  	v8 =	vld [tilespmem:s20+$0xFFFFFFB0]  }
0x41: {  	v9 =	vld [tilespmem:s20+$0xFFFFFFF0];
	_ =	sdelay $0x4  }
0x42: {  	v8 =	vmul.f32 v8, v3;
	v9 =	vmul.f32 v9, v3;
	_ =	sdelay $0x1  }
0x43: {  	v8 =	vmax.f32 v8, v9  }
0x44: {  	v8 =	vadd.f32 v8, v5;
	_ =	sdelay $0x1  }
0x45: {  	v8 =	vmax.f32 v8, $0.0e+00  }
0x46: {  	[tilespmem:s21+$0x12230] =	vst v8  }
0x47: {  	v8 =	vld [tilespmem:s20+$0x0]  }
0x48: {  	v9 =	vld [tilespmem:s20+$0x40];
	_ =	sdelay $0x4  }
0x49: {  	v8 =	vmul.f32 v8, v0;
	v9 =	vmul.f32 v9, v0;
	_ =	sdelay $0x1  }
0x4a: {  	v8 =	vmax.f32 v8, v9  }
0x4b: {  	v8 =	vadd.f32 v8, v1;
	_ =	sdelay $0x1  }
0x4c: {  	v8 =	vmax.f32 v8, $0.0e+00  }
0x4d: {  	[tilespmem:s21+$0x12240] =	vst v8  }
0x4e: {  	v8 =	vld [tilespmem:s20+$0x10]  }
0x4f: {  	v9 =	vld [tilespmem:s20+$0x50];
	_ =	sdelay $0x4  }
0x50: {  	v8 =	vmul.f32 v8, v2;
	v9 =	vmul.f32 v9, v2;
	_ =	sdelay $0x1  }
0x51: {  	v8 =	vmax.f32 v8, v9  }
0x52: {  	v8 =	vadd.f32 v8, v6;
	_ =	sdelay $0x1  }
0x53: {  	v8 =	vmax.f32 v8, $0.0e+00  }
0x54: {  	[tilespmem:s21+$0x12250] =	vst v8  }
0x55: {  	v8 =	vld [tilespmem:s20+$0x20]  }
0x56: {  	v9 =	vld [tilespmem:s20+$0x60];
	_ =	sdelay $0x4  }
0x57: {  	v8 =	vmul.f32 v8, v4;
	v9 =	vmul.f32 v9, v4;
	_ =	sdelay $0x1  }
0x58: {  	v8 =	vmax.f32 v8, v9  }
0x59: {  	v8 =	vadd.f32 v8, v7;
	_ =	sdelay $0x1  }
0x5a: {  	v8 =	vmax.f32 v8, $0.0e+00  }
0x5b: {  	[tilespmem:s21+$0x12260] =	vst v8  }
0x5c: {  	v9 =	vld [tilespmem:s20+$0x30]  }
0x5d: {  	s22 =	simm.s32 $0x200;
	v8 =	vld [tilespmem:s20+$0x70]  }
.LBB2_2:
0x5e: {  	_ =	sdelay $0x1  }
0x5f: {  	p0 =	sne.s32 s22, $0x17E00  }
0x60: {  	s20 =	sadd.s32 $0x100, s20;
	s23 =	smov.u32 s22;
	s22 =	sadd.s32 $0x200, s22;
	v9 =	vmul.f32 v9, v3  }
0x61: {  	v8 =	vmul.f32 v8, v3;
	_ =	sdelay $0x1  }
0x62: {  	v8 =	vmax.f32 v9, v8  }
0x63: {  	v8 =	vadd.f32 v8, v5;
	_ =	sdelay $0x1  }
0x64: {  	v8 =	vmax.f32 v8, $0.0e+00  }
0x65: {  	[tilespmem:s21+$0x12270] =	vst v8  }
0x66: {  	v8 =	vld [tilespmem:s20+$0xFFFFFF80]  }
0x67: {  	v9 =	vld [tilespmem:s20+$0xFFFFFFC0];
	_ =	sdelay $0x4  }
0x68: {  	v8 =	vmul.f32 v8, v0;
	v9 =	vmul.f32 v9, v0;
	_ =	sdelay $0x1  }
0x69: {  	v8 =	vmax.f32 v8, v9  }
0x6a: {  	v8 =	vadd.f32 v8, v1;
	_ =	sdelay $0x1  }
0x6b: {  	s21 =	sshra.s32 s23, $0x2;
	v8 =	vmax.f32 v8, $0.0e+00  }
0x6c: {  	[tilespmem:s21+$0x12200] =	vst v8  }
0x6d: {  	v8 =	vld [tilespmem:s20+$0xFFFFFF90]  }
0x6e: {  	v9 =	vld [tilespmem:s20+$0xFFFFFFD0];
	_ =	sdelay $0x3  }
0x6f: {  	v8 =	vmul.f32 v8, v2  }
0x70: {  	v9 =	vmul.f32 v9, v2;
	_ =	sdelay $0x1  }
0x71: {  	v8 =	vmax.f32 v8, v9  }
0x72: {  	v8 =	vadd.f32 v8, v6;
	_ =	sdelay $0x1  }
0x73: {  	v8 =	vmax.f32 v8, $0.0e+00  }
0x74: {  	[tilespmem:s21+$0x12210] =	vst v8  }
0x75: {  	v8 =	vld [tilespmem:s20+$0xFFFFFFA0]  }
0x76: {  	v9 =	vld [tilespmem:s20+$0xFFFFFFE0];
	_ =	sdelay $0x3  }
0x77: {  	v8 =	vmul.f32 v8, v4  }
0x78: {  	v9 =	vmul.f32 v9, v4;
	_ =	sdelay $0x1  }
0x79: {  	v8 =	vmax.f32 v8, v9  }
0x7a: {  	v8 =	vadd.f32 v8, v7;
	_ =	sdelay $0x1  }
0x7b: {  	v8 =	vmax.f32 v8, $0.0e+00  }
0x7c: {  	[tilespmem:s21+$0x12220] =	vst v8  }
0x7d: {  	v8 =	vld [tilespmem:s20+$0xFFFFFFB0]  }
0x7e: {  	v9 =	vld [tilespmem:s20+$0xFFFFFFF0];
	_ =	sdelay $0x3  }
0x7f: {  	v8 =	vmul.f32 v8, v3  }
0x80: {  	v9 =	vmul.f32 v9, v3;
	_ =	sdelay $0x1  }
0x81: {  	v8 =	vmax.f32 v8, v9  }
0x82: {  	v8 =	vadd.f32 v8, v5;
	_ =	sdelay $0x1  }
0x83: {  	v8 =	vmax.f32 v8, $0.0e+00  }
0x84: {  	[tilespmem:s21+$0x12230] =	vst v8  }
0x85: {  	v8 =	vld [tilespmem:s20+$0x0]  }
0x86: {  	v9 =	vld [tilespmem:s20+$0x40];
	_ =	sdelay $0x3  }
0x87: {  	v8 =	vmul.f32 v8, v0  }
0x88: {  	v9 =	vmul.f32 v9, v0;
	_ =	sdelay $0x1  }
0x89: {  	v8 =	vmax.f32 v8, v9  }
0x8a: {  	v8 =	vadd.f32 v8, v1;
	_ =	sdelay $0x1  }
0x8b: {  	v8 =	vmax.f32 v8, $0.0e+00  }
0x8c: {  	[tilespmem:s21+$0x12240] =	vst v8  }
0x8d: {  	v8 =	vld [tilespmem:s20+$0x10]  }
0x8e: {  	v9 =	vld [tilespmem:s20+$0x50];
	_ =	sdelay $0x3  }
0x8f: {  	v8 =	vmul.f32 v8, v2  }
0x90: {  	v9 =	vmul.f32 v9, v2;
	_ =	sdelay $0x1  }
0x91: {  	v8 =	vmax.f32 v8, v9  }
0x92: {  	v8 =	vadd.f32 v8, v6;
	_ =	sdelay $0x1  }
0x93: {  	v8 =	vmax.f32 v8, $0.0e+00  }
0x94: {  	[tilespmem:s21+$0x12250] =	vst v8  }
0x95: {  	v8 =	vld [tilespmem:s20+$0x20]  }
0x96: {  	v9 =	vld [tilespmem:s20+$0x60];
	_ =	sdelay $0x3  }
0x97: {  	v8 =	vmul.f32 v8, v4  }
0x98: {  	v9 =	vmul.f32 v9, v4;
	_ =	sdelay $0x1  }
0x99: {  	v8 =	vmax.f32 v8, v9  }
0x9a: {  	v8 =	vadd.f32 v8, v7  }
.Ltmp0:
0x9b: {  	(pc) =	sbr.rel @p0 .LBB2_2-.Ltmp0, $4  }
0x9c: {  	v8 =	vmax.f32 v8, $0.0e+00  }
0x9d: {  	[tilespmem:s21+$0x12260] =	vst v8  }
0x9e: {  	v9 =	vld [tilespmem:s20+$0x30]  }
0x9f: {  	v8 =	vld [tilespmem:s20+$0x70]  }
0xa0: {  	_ =	sdelay $0x3  }
0xa1: {  	v0 =	vmul.f32 v9, v3;
	v1 =	vmul.f32 v8, v3;
	_ =	sdelay $0x1  }
0xa2: {  	v0 =	vmax.f32 v0, v1  }
0xa3: {  	v0 =	vadd.f32 v0, v5;
	_ =	sdelay $0x1  }
0xa4: {  	v0 =	vmax.f32 v0, $0.0e+00  }
0xa5: {  	s20 =	simm.s32 $0x0;
	[tilespmem:s21+$0x12270] =	vst v0  }
.LBB2_4:
0xa6: {  	p0 =	sne.s32 s20, $0x17E00  }
.Ltmp1:
0xa7: {  	_ = 	snop;
	(pc) =	sbr.rel @p0 .LBB2_4-.Ltmp1, $4  }
0xa8: {  	_ = 	snop  }
0xa9: {  	s21 =	sshra.s32 s20, $0x2  }
0xaa: {  	s20 =	sadd.s32 $0x200, s20;
	s22 =	sadd.s32 $0x12200, s21;
	s21 =	sadd.s32 $0xC200, s21  }
0xab: {  	[hbm4b:s5+s12] =	stream.indirect.scatter [tilespmem:s22], [sflag:$0x2], $0x1, s21, s12, $0xb8;
	[tilespmem:$0x18300] =	vst v63  }
0xac: {  	_ =	swait.ge [sflag:s18], $0x80  }
0xad: {  	s20 =	simm.s32 $0xBF;
	[sflag:s18] =	ssyncset.done $0x0  }
.LBB2_6:
0xae: {  	p0 =	sne.s32 s20, $0x1;
	s20 =	sadd.s32 $0xFFFFFFFF, s20;
	[sflag:s18] =	ssyncadd.s32 $0xFFFFFF80  }
.Ltmp2:
0xaf: {  	(pc) =	sbr.rel @p0 .LBB2_6-.Ltmp2, $3  }
0xb0: {  	_ =	sdelay $0x1  }
0xb1: {  	_ =	swait.ge [sflag:s18], $0x80  }
0xb2: {  	[sflag:s18] =	ssyncset.done $0x0  }
0xb3: {  	s19 =	sadd.s32 $0x1, s19  }
0xb4: {  	p0 =	sne.s32 s19, s8  }
.Ltmp3:
0xb5: {  	_ = 	snop;
	(pc) =	sbr.rel @p0 .LBB2_1-.Ltmp3, $2  }
0xb6: {  	_ =	sdelay $0x2  }
0xb7: {  	[sflag:s18] =	ssyncadd.s32 $0xFFFFFF80  }
0xb8: {  	_ =	sfence.sel $0x180000  }
0xb9: {  	[bflag:$0x0] =	sbarrier.arrive $0xFFFF  }
0xba: {  	p0 =	sne.s32 s0, $0x0;
	_ =	strace $0x90000053  }
0xbb: {  	s0 =	sadd.s32 @!p0 $0x100000, s1;
	[bflag:$0x2] =	sbarrier.arrive $0xFFFF  }
0xbc: {  	[sflag:s0] =	ssyncadd.tile.s32 @!p0 $0x1;
	_ =	shalt  }
.Lfunc_end2:
_tile_overlayer_lowered:
.L_overlay_start_2:
0xbd: {  	(tag) =	ssettag $0x2  }
0xbe: {  	s0 =	rddreg [dreg:$0x0];
	s2 =	stileid.u32  }
0xbf: {  	s1 =	rddreg [dreg:$0x1];
	p0 =	sne.s32 s2, $0x0  }
0xc0: {  	s3 =	rddreg [dreg:$0x2];
	[bflag:$0x3] =	sbarrier.arrive $0xFFFF;
	s2 =	simm.s32 @!p0 $0x1C03  }
0xc1: {  	[timem:s3], [sflag:s2] =	dma.local @!p0 [hbm:s0], s1  }
0xc2: {  	s0 =	simm.s32 @!p0 $0x3  }
0xc3: {  	_ =	swait.ge @!p0 [sflag:s0], s1  }
0xc4: {  	s1 =	ssub.s32 @!p0 $0x0, s1;
	[sflag:s0] =	ssyncset.done @!p0 $0x0  }
0xc5: {  	[sflag:s0] =	ssyncadd.s32 @!p0 s1  }
0xc6: {  	[bflag:$0x3] =	sbarrier.arrive $0xFFFF  }
0xc7: {  	_ =	shalt  }

// kernel: scatter_offload_async_start
scs
__scs_entry_jumppad:
0x0: {  	(pc) =	sbr.rel $0x88, $3  }
0x1: {  	(tag) =	ssettag $0x0;
	lr =	simm.s32 $0x1  }
0x2: {  	[smem:$0x3F9B] =	sst lr;
	_ =	strace $0xD0000000  }
0x3: {  	_ = 	snop  }
0x4: {  	_ = 	snop  }
0x5: {  	_ = 	snop  }
0x6: {  	_ = 	snop  }
0x7: {  	_ = 	snop  }
__scs_overlays_trampoline_lowered:
0x8: {  	[smem:$0x3FAA] =	sst s0  }
0x9: {  	[smem:$0x3FAB] =	sst s1  }
0xa: {  	[smem:$0x3FAC] =	sst s2  }
0xb: {  	[smem:$0x3FAD] =	sst s3  }
0xc: {  	[smem:$0x3FAE] =	sst s4  }
0xd: {  	[smem:$0x3FAF] =	sst s5  }
0xe: {  	[smem:$0x3FB0] =	sst s6  }
0xf: {  	[smem:$0x3FB1] =	sst s7  }
0x10: {  	[smem:$0x3FB2] =	sst s8  }
0x11: {  	[smem:$0x3FB3] =	sst s9;
	s0 =	simm.s32 @!p0 $0x0  }
0x12: {  	s1 =	sld [smem:$0x3F99];
	s0 =	simm.s32 @p0 $0x1  }
0x13: {  	[smem:$0x3FB4] =	sst s0;
	s0 =	simm.s32 @!p1 $0x0  }
0x14: {  	s2 =	sld [smem:$0x3F98];
	s0 =	simm.s32 @p1 $0x1  }
0x15: {  	[smem:$0x3FB5] =	sst s0;
	s0 =	simm.s32 @!p2 $0x0  }
0x16: {  	s3 =	sld [smem:$0x3FDB];
	s0 =	simm.s32 @p2 $0x1  }
0x17: {  	s4 =	simm.s32 $0x1BF5;
	[smem:$0x3FB7] =	sst s0  }
0x18: {  	s0 =	sld [smem:$0x3F9A];
	_ =	swait.ge [sflag:s4], $0x0  }
0x19: {  	s7 =	sld [smem:$0x3F9B]  }
0x1a: {  	s8 =	sadd.s32 $0xFFFFE003, lr  }
0x1b: {  	s9 =	sadd.s32 $0xFFFFFEF7, lr;
	s5 =	simm.s32 $0xFFFFFFFF;
	p2 =	slt.u32 s8, $0xFFFFF086  }
0x1c: {  	p1 =	slt.u32 s9, $0xF7A;
	s5 =	simm.s32 @!p2 $0x0  }
0x1d: {  	s5 =	simm.s32 @p1 $0x1;
	p0 =	seq.s32 s7, s2  }
0x1e: {  	s7 =	smul.u32 @!p0 $0xF7A, s2;
	p2 =	seq.s32 @!p0 s5, $0x0  }
0x1f: {  	s9 =	smul.u32 $0xF7A, s1;
	s8 =	simm.s32 @!p0 $0x1BF5;
	p2 =	por !p2, p0  }
0x20: {  	[sflag:s8] =	ssyncset.s32 @!p0 $0xFFFFF086;
	s6 =	sadd.s32 @!p0 s3, s7;
	s7 =	simm.s32 @!p0 $0x108  }
0x21: {  	s3 =	sadd.s32 s3, s9;
	s6 =	sadd.s32 @!p0 $0x88, s6;
	s7 =	simm.s32 @p2 $0x1082  }
0x22: {  	[simem:s7], [sflag:s8] =	dma.local @!p0 [hbm:s6], $0xF7A  }
0x23: {  	s9 =	sor.u32 $0xD0000000, s2;
	s6 =	simm.s32 $0x108;
	_ =	swait.ge @!p0 [sflag:s8], $0x0  }
0x24: {  	s3 =	sadd.s32 $0x88, s3;
	s6 =	simm.s32 @!p1 $0x1082;
	[sflag:s4] =	ssyncset.s32 $0xFFFFF086  }
0x25: {  	[simem:s6], [sflag:s4] =	dma.local [hbm:s3], $0xF7A  }
0x26: {  	[smem:$0x3F9B] =	sst s1;
	(tag) =	ssettag s2;
	_ =	strace s9  }
0x27: {  	s1 =	sld [smem:$0x3FAB]  }
0x28: {  	s2 =	sld [smem:$0x3FAC]  }
0x29: {  	s4 =	sld [smem:$0x3FAE]  }
0x2a: {  	p0 =	seq.s32 s5, $0x0;
	s5 =	sld [smem:$0x3FAF]  }
0x2b: {  	s6 =	sld [smem:$0x3FB0]  }
0x2c: {  	s7 =	sld [smem:$0x3FB1]  }
0x2d: {  	s3 =	simm.s32 $0x108;
	s8 =	sld [smem:$0x3FB2]  }
0x2e: {  	s3 =	simm.s32 @!p0 $0x1082;
	s9 =	sld [smem:$0x3FB3]  }
0x2f: {  	lr =	sadd.s32 s0, s3;
	s0 =	sld [smem:$0x3FAA]  }
0x30: {  	s3 =	sld [smem:$0x3FAD]  }
0x31: {  	[smem:$0x3FB6] =	sst s10  }
0x32: {  	s10 =	sld [smem:$0x3FB4];
	_ =	sdelay $0x3  }
0x33: {  	p0 =	seq.s32 s10, $0x1;
	s10 =	sld [smem:$0x3FB6];
	_ =	sdelay $0x3  }
0x34: {  	[smem:$0x3FB6] =	sst s10  }
0x35: {  	s10 =	sld [smem:$0x3FB5];
	_ =	sdelay $0x3  }
0x36: {  	p1 =	seq.s32 s10, $0x1;
	s10 =	sld [smem:$0x3FB6];
	_ =	sdelay $0x3  }
0x37: {  	[smem:$0x3FB6] =	sst s10  }
0x38: {  	s10 =	sld [smem:$0x3FB7]  }
0x39: {  	_ = 	snop;
	(pc) =	sbr.ind lr, $3  }
0x3a: {  	_ = 	snop  }
0x3b: {  	_ = 	snop  }
0x3c: {  	p2 =	seq.s32 s10, $0x1;
	s10 =	sld [smem:$0x3FB6]  }
0x3d: {  	_ =	shalt  }
0x3e: {  	_ =	shalt  }
0x3f: {  	_ =	shalt  }
0x40: {  	_ =	shalt  }
0x41: {  	_ =	shalt  }
0x42: {  	_ =	shalt  }
0x43: {  	_ =	shalt  }
0x44: {  	_ =	shalt  }
0x45: {  	_ =	shalt  }
0x46: {  	_ =	shalt  }
0x47: {  	_ =	shalt  }
0x48: {  	_ =	shalt  }
0x49: {  	_ =	shalt  }
0x4a: {  	_ =	shalt  }
0x4b: {  	_ =	shalt  }
0x4c: {  	_ =	shalt  }
0x4d: {  	_ =	shalt  }
0x4e: {  	_ =	shalt  }
0x4f: {  	_ =	shalt  }
0x50: {  	_ =	shalt  }
0x51: {  	_ =	shalt  }
0x52: {  	_ =	shalt  }
0x53: {  	_ =	shalt  }
0x54: {  	_ =	shalt  }
0x55: {  	_ =	shalt  }
0x56: {  	_ =	shalt  }
0x57: {  	_ =	shalt  }
0x58: {  	_ =	shalt  }
0x59: {  	_ =	shalt  }
0x5a: {  	_ =	shalt  }
0x5b: {  	_ =	shalt  }
0x5c: {  	_ =	shalt  }
0x5d: {  	_ =	shalt  }
0x5e: {  	_ =	shalt  }
0x5f: {  	_ =	shalt  }
0x60: {  	_ =	shalt  }
0x61: {  	_ =	shalt  }
0x62: {  	_ =	shalt  }
0x63: {  	_ =	shalt  }
0x64: {  	_ =	shalt  }
0x65: {  	_ =	shalt  }
0x66: {  	_ =	shalt  }
0x67: {  	_ =	shalt  }
0x68: {  	_ =	shalt  }
0x69: {  	_ =	shalt  }
0x6a: {  	_ =	shalt  }
0x6b: {  	_ =	shalt  }
0x6c: {  	_ =	shalt  }
0x6d: {  	_ =	shalt  }
0x6e: {  	_ =	shalt  }
0x6f: {  	_ =	shalt  }
0x70: {  	_ =	shalt  }
0x71: {  	_ =	shalt  }
0x72: {  	_ =	shalt  }
0x73: {  	_ =	shalt  }
0x74: {  	_ =	shalt  }
0x75: {  	_ =	shalt  }
0x76: {  	_ =	shalt  }
0x77: {  	_ =	shalt  }
0x78: {  	_ =	shalt  }
0x79: {  	_ =	shalt  }
0x7a: {  	_ =	shalt  }
0x7b: {  	_ =	shalt  }
0x7c: {  	_ =	shalt  }
0x7d: {  	_ =	shalt  }
0x7e: {  	_ =	shalt  }
0x7f: {  	_ =	shalt  }
0x80: {  	_ =	shalt  }
0x81: {  	_ =	shalt  }
0x82: {  	_ =	shalt  }
0x83: {  	_ =	shalt  }
0x84: {  	_ =	shalt  }
0x85: {  	_ =	shalt  }
0x86: {  	_ =	shalt  }
0x87: {  	_ =	shalt  }
.Lfunc_end0:
.L_simem_size_0:
called_computation_lowered:
.L_overlay_start_0:
0x88: {  	s0 =	sld [smem:$0x3FD9]  }
0x89: {  	s1 =	sld [smem:$0x3FFE];
	_ =	sdelay $0x3  }
0x8a: {  	s0 =	sadd.s32 s1, s0  }
0x8b: {  	[smem:$0x3FC2] =	sst s0  }
0x8c: {  	_ = 	snop  }
0x8d: {  	(tm) =	ssettm $0x1  }
0x8e: {  	s15 =	sld [smem:$0x3FFB];
	_ =	sdelay $0x3  }
0x8f: {  	_ =	strace s15  }
0x90: {  	s0 =	sld [smem:$0x3FFC];
	_ =	sdelay $0x3  }
0x91: {  	_ =	strace s0  }
0x92: {  	s0 =	sld [smem:$0x3FFD];
	_ =	sdelay $0x3  }
0x93: {  	_ =	strace s0  }
0x94: {  	_ =	strace $0x8FFFFFFF  }
0x95: {  	s16 =	sld [smem:$0x3FDB];
	_ =	sdelay $0x1  }
0x96: {  	s17 =	simm.s32 $_scs_section_size  }
0x97: {  	s2 =	simm.s32 $_size__tile_overlayer_lowered;
	s3 =	simm.s32 $_tile_overlayer_lowered  }
0x98: {  	s20 =	simm.s32 $0x1BFF;
	s19 =	sshll.u32 s3, $0x1;
	s0 =	sadd.s32 s17, s16  }
0x99: {  	s4 =	simm.s32 $0x0;
	s18 =	sshll.u32 s2, $0x1;
	s2 =	sadd.s32 s19, s0  }
0x9a: {  	[timem:s4], [sflag:s20] =	dma.local [hbm:s2], s18  }
0x9b: {  	_ =	swait.ge [sflag:s20], s18  }
0x9c: {  	s1 =	ssub.s32 $0x0, s18;
	[sflag:s20] =	ssyncset.done $0x0  }
0x9d: {  	[sflag:s20] =	ssyncadd.s32 s1;
	_ =	sdelay $0x1  }
0x9e: {  	s21 =	simm.s32 $0x1B8B  }
0x9f: {  	_ =	swait.ge [sflag:s21], $0x1  }
0xa0: {  	[sflag:s21] =	ssyncset.done $0x0  }
0xa1: {  	s23 =	simm.s32 $0x1B8E;
	s22 =	sld [smem:$0x3FFE];
	[sflag:s21] =	ssyncadd.s32 $0xFFFFFFFF  }
0xa2: {  	s24 =	simm.s32 $execute0_lowered;
	[smem:$0x3FD2] =	sst s23  }
0xa3: {  	s2 =	sshll.u32 s24, $0x1;
	_ =	strace $0x80000049;
	[dreg:$0x1] =	wrdreg $0xFFFFFFFF  }
0xa4: {  	s25 =	simm.s32 $_size_execute0_lowered;
	s0 =	sadd.s32 s0, s2;
	[dreg:$0x0] =	wrdreg $0x0  }
0xa5: {  	s2 =	sshll.u32 s25, $0x1;
	[dreg:$0x2] =	wrdreg s0  }
0xa6: {  	[dreg:$0x3] =	wrdreg s2  }
0xa7: {  	[dreg:$0x4] =	wrdreg $0xC0  }
0xa8: {  	_ =	task [dreg:s4], $0x5FFFF  }
0xa9: {  	[dreg:$0x1] =	wrdreg $0xFFFFFFFF  }
0xaa: {  	[dreg:$0x0] =	wrdreg $0x60  }
0xab: {  	[dreg:$0x2] =	wrdreg s22  }
0xac: {  	[dreg:$0x3] =	wrdreg $0x9  }
0xad: {  	_ =	task.clear_ibuf [dreg:s4], $0x4FFFF;
	_ =	strace $0x90000049  }
0xae: {  	s26 =	simm.s32 $0x9;
	_ =	strace $0x8000004B  }
0xaf: {  	_ =	swait.ge [sflag:s26], $0x1  }
0xb0: {  	[sflag:s26] =	ssyncadd.s32 $0xFFFFFFFF  }
0xb1: {  	_ =	strace $0x9000004B  }
0xb2: {  	_ =	sfence  }
0xb3: {  	s28 =	sld [smem:$0x0];
	_ =	sdelay $0x1  }
0xb4: {  	s29 =	srdreg.scid  }
0xb5: {  	s30 =	sshll.u32 s29, $0xD;
	s31 =	sshrl.u32 s29, $0x2  }
0xb6: {  	s1 =	sand.u32 $0x1, s29;
	s2 =	sand.u32 $0x4000, s30;
	s0 =	sadd.s32 s31, s28  }
0xb7: {  	s1 =	sor.u32 s2, s1;
	s0 =	sshll.u32 s0, $0x11  }
0xb8: {  	s0 =	sor.u32 s0, s1  }
0xb9: {  	s0 =	sadd.s32 $0x8F2B, s0  }
0xba: {  	[sflag:s0] =	ssyncadd.remote.s32 $0x1  }
0xbb: {  	_ =	sfence.sel $0xFFFF  }
0xbc: {  	[dreg:$0x0] =	wrdreg $0xFFFFFFFF;
	(pc) =	sbr.abs _section_cstart, $3  }
0xbd: {  	[dreg:$0x1] =	wrdreg $0xFFFFFFFF  }
0xbe: {  	_ =	task.clear_ibuf [dreg:s4], $0x2FFFF;
	_ =	strace $0x9FFFFFFF  }
0xbf: {  	(tm) =	ssettm $0x7FFFFFFF  }
tec
execute0_lowered:
.L_overlay_start_1:
0x0: {  	(tag) =	ssettag $0x1  }
0x1: {  	s0 =	rddreg [dreg:$0x0];
	_ =	strace $0x8000004A;
	s2 =	simm.s32 $0x1  }
0x2: {  	v1 =	vimm.s32 $0xFFFFFFFF;
	[sflag:s2] =	ssyncpa.u1 $0x0  }
0x3: {  	s14 =	stileid.u32;
	[tilespmem:$0x10] =	vst v1  }
0x4: {  	v0 =	vimm.s32 $0x80000000;
	s1 =	smin.u32 s14, $0x9;
	[tilespmem:$0x20] =	vst v1  }
0x5: {  	s1 =	sadd.s32 s14, s1;
	[tilespmem:$0x30] =	vst v0  }
0x6: {  	p0 =	slt.u32 s14, $0x9;
	[tilespmem:$0x40] =	vst v0;
	s3 =	smul.u32 $0x1E0, s1;
	s1 =	simm.s32 $0x3C0  }
0x7: {  	[tilespmem:$0x50] =	vst v0;
	s1 =	simm.s32 @!p0 $0x1E0  }
0x8: {  	[tilespmem:$0x60] =	vst v1;
	s1 =	sadd.s32 s1, s3  }
0x9: {  	s7 =	simm.s32 $0x2;
	s8 =	simm.s32 $0x8;
	[tilespmem:$0x70] =	vst v1;
	s4 =	smin.u32 s1, $0x2EE0  }
0xa: {  	s31 =	simm.s32 $0x9;
	s16 =	simm.s32 $0x0;
	[tilespmem:$0x80] =	vst v1;
	s6 =	ssub.s32 s4, s3  }
0xb: {  	s17 =	simm.s32 $0xF0;
	s18 =	simm.s32 $0xFFFFFFFF;
	v1 =	vimm.s32 $0x0;
	[tilespmem:$0xB0] =	vst v0;
	p0 =	sgt.s32 s6, $0x0  }
0xc: {  	s19 =	simm.s32 $0xFFFFFD40;
	s20 =	simm.s32 $0xFFFFFFFE;
	[tilespmem:$0x90] =	vst v1;
	s6 =	simm.s32 @!p0 $0x0  }
0xd: {  	[tilespmem:$0xA0] =	vst v1;
	[sflag:s7] =	ssyncpa.u1 $0x0;
	s7 =	simm.s32 $0x7;
	s5 =	smul.u32 $0x8889, s6  }
0xe: {  	s21 =	simm.s32 $0xF;
	s25 =	simm.s32 $0x0;
	[sflag:s7] =	ssyncpa.u1 $0x0  }
0xf: {  	s24 =	simm.s32 $0x0;
	[sflag:s8] =	ssyncpa.u1 $0x0;
	s9 =	sshrl.u32 s5, $0x18  }
0x10: {  	s23 =	smov.u32 s3;
	s1 =	sadd.s32 $0x3600, s0;
	s10 =	smul.u32 $0x1E0, s9  }
.Ltmp0:
0x11: {  	s5 =	sadd.s32 $0x2200, s0;
	s0 =	sadd.s32 $0x2800, s0;
	(pc) =	sbr.rel .LBB2_1-.Ltmp0, $4  }
0x12: {  	[sflag:s31] =	ssyncpa.u1 $0x0;
	[dreg:$0x2] =	wrdreg s0;
	p0 =	sne.s32 s6, s10  }
0x13: {  	s10 =	sshll.u32 s14, $0x1;
	s14 =	sshllo.u32 s14, $0x1;
	s2 =	simm.s32 @!p0 $0x0  }
0x14: {  	vm0 =	vmmov $0xffff;
	v2 =	vlaneseq.u32;
	s13 =	sor.u32 $0x81, s10;
	s15 =	sor.u32 $0x80, s10;
	s9 =	sadd.s32 s9, s2  }
0x15: {  	vm1 =	vmxor vm1, vm1;
	vm2 =	vmmov $0x1;
	vm3 =	vcmask $0x3F3C;
	p0 =	por $0x0, $0x0;
	s11 =	sadd.s32 $0x1, s9;
	s12 =	sadd.s32 $0x2, s9  }
.LBB2_9:
0x16: {  	p1 =	slt.u32 s24, $0x3  }
0x17: {  	s0 =	simm.s32 @!p1 $0x2  }
0x18: {  	_ =	swait.ge @!p1 [sflag:s0], $0x1E0  }
0x19: {  	[sflag:s0] =	ssyncset.done @!p1 $0x0  }
0x1a: {  	[sflag:s0] =	ssyncadd.s32 @!p1 $0xFFFFFE20;
	s0 =	simm.s32 @!p1 $0x9  }
0x1b: {  	_ =	swait.ge @!p1 [sflag:s0], $0x10  }
0x1c: {  	[sflag:s0] =	ssyncset.done @!p1 $0x0  }
0x1d: {  	[sflag:s0] =	ssyncadd.s32 @!p1 $0xFFFFFFF0;
	p1 =	sne.s32 s24, s12  }
.Ltmp1:
0x1e: {  	s2 =	sadd.s32 $0x1E0, s23;
	(pc) =	sbr.rel @!p1 .LBB2_10-.Ltmp1, $4  }
0x1f: {  	s6 =	smov.u32 s3;
	s31 =	sadd.s32 $0x1, s24;
	s17 =	sadd.s32 $0x1E0, s17  }
0x20: {  	s18 =	sadd.s32 $0x1, s18;
	s25 =	smov.u32 s23;
	p2 =	slt.s32 s2, s4  }
0x21: {  	p0 =	por !p0, !p0;
	s19 =	sadd.s32 $0x1E0, s19;
	s6 =	smov.u32 @p2 s2  }
0x22: {  	s20 =	sadd.s32 $0x1, s20;
	s23 =	smov.u32 s6;
	s24 =	smov.u32 s31  }
.LBB2_1:
0x23: {  	p1 =	sge.u32 s24, s9  }
0x24: {  	s0 =	smulhi.u32 @!p1 $0xAAAAAAAB, s24;
	_ =	sdelay $0x1  }
0x25: {  	s0 =	sshrl.u32 @!p1 s0, $0x1  }
0x26: {  	s0 =	smul.u32 @!p1 $0x3, s0;
	_ =	sdelay $0x1  }
0x27: {  	s0 =	ssub.s32 @!p1 s24, s0  }
0x28: {  	s0 =	smul.u32 @!p1 $0x780, s0;
	_ =	sdelay $0x1  }
0x29: {  	s2 =	sshrl.u32 @!p1 s23, $0x3;
	s0 =	sshrl.u32 @!p1 s0, $0x2  }
0x2a: {  	s6 =	sand.u32 @!p1 $0x7, s23;
	s2 =	sadd.s32 @!p1 s5, s2;
	s0 =	sadd.s32 @!p1 $0x100, s0  }
0x2b: {  	[tilespmem:s0], [sflag:$0x7] =	stream.linear.gather @!p1 [hbm4b:s2+s6], $0x1E0, $0x38;
	[tilespmem:$0x1200] =	vst v63  }
0x2c: {  	s0 =	sadd.s32 $0xFFFFFFFF, s24  }
0x2d: {  	p1 =	sge.u32 s0, s9  }
.Ltmp2:
0x2e: {  	_ = 	snop;
	(pc) =	sbr.rel @p1 .LBB2_5-.Ltmp2, $1  }
0x2f: {  	_ =	sdelay $0x3  }
0x30: {  	s2 =	smulhi.u32 $0xAAAAAAAB, s0;
	_ =	sdelay $0x1  }
0x31: {  	s2 =	sshrl.u32 s2, $0x1  }
0x32: {  	s2 =	smul.u32 $0x3, s2;
	_ =	sdelay $0x1  }
0x33: {  	s2 =	ssub.s32 s0, s2  }
0x34: {  	s2 =	smul.u32 $0x780, s2  }
0x35: {  	_ =	swait.ge [sflag:s7], $0x1E0  }
0x36: {  	[sflag:s7] =	ssyncset.done $0x0;
	s2 =	sshrl.u32 s2, $0x2  }
0x37: {  	[sflag:s7] =	ssyncadd.s32 $0xFFFFFE20;
	(ifvalue) =	ssetifvalue $0xFFFFFFFF;
	v3 =	vld.msk [tilespmem:s2+$0x100 ss:$0x1], $0xffff;
	_ =	sdelay $0x2  }
0x38: {  	s30 =	smulhi.u32 $0xAAAAAAAB, s18;
	p1 =	sne.s32 s24, $0x1  }
0x39: {  	v4 =	vimm.s32 @!p1 $0x0  }
0x3a: {  	s2 =	sshrl.u32 s30, $0x1;
	v4 =	vperm.xlane @!p1 v3, v4  }
0x3b: {  	s6 =	sshll.u32 s24, $0x4;
	s2 =	smul.u32 $0xFFFFE980, s2;
	vm4 =	vlt.u32 v3, $0xD1400  }
0x3c: {  	s6 =	sand.u32 $0x10, s6;
	v3 =	vnsel vm4, $0xFFFFFFFE, v3;
	vm4 =	vlt.u32 @!p1 v4, $0xD1400  }
0x3d: {  	s2 =	sshra.s32 s2, $0x2;
	[tilespmem:s6+$0x60] =	vst v3;
	v3 =	vnsel @!p1 vm4, $0xFFFFFFFE, v4  }
0x3e: {  	s26 =	sadd.s32 s2, s17;
	[tilespmem:$0x80] =	vst @!p1 v3  }
0x3f: {  	v3 =	vld.msk [tilespmem:s26+$0x0 ss:$0x1], $0xffff;
	_ =	sdelay $0x4  }
0x40: {  	(xrf1) =	vunique.msk.u32 $0xffff, v3;
	_ =	sdelay $0xd  }
0x41: {  	v4 =	vimm.s32 $0xFFFFFFFF;
	v5, _, _ =	vpop (xrf1)  }
0x42: {  	vm5 =	vne.s32 v3, v4;
	vm4 =	veq.s32 v5, v2  }
0x43: {  	vm6 =	vlt.u32 v3, $0xD1400;
	vm4 =	vmand vm5, vm4  }
0x44: {  	vm4 =	vmand vm6, vm4  }
0x45: {  	v4 =	vnsel vm4, $0xFFFFFFFF, v3  }
0x46: {  	s31 =	sand.u32 $0x1, s0  }
0x47: {  	s0 =	simm.s32 $0x1E0;
	p1 =	seq.s32 s31, $0x1  }
0x48: {  	s0 =	simm.s32 @!p1 $0x0  }
0x49: {  	s2 =	sadd.s32 $0x870, s0;
	(ifvalue) =	ssetifvalue $0xFFFFFFFF  }
0x4a: {  	v3 =	vperm.xlane v3, v1;
	[tilespmem:s2], [sflag:$0x8] =	stream.indirect_vreg.gather [hbm4b:s1+s16], $0x1, v4, vm0, $0x4038;
	v4 =	vnsel vm6, $0xFFFFFFFE, v4;
	[tilespmem:$0x1200] =	vst v63  }
0x4b: {  	s22 =	sadd.s32 $0xFFFFFFF0, s26;
	s6 =	simm.s32 $0x0;
	[tilespmem:s26+$0x0] =	vst v4  }
.LBB2_3:
0x4c: {  	v4 =	vld.msk [tilespmem:s22+$0x0 ss:$0x1], $0xffff;
	s6 =	sadd.s32 $0x10, s6;
	v5 =	vmov v3;
	s26 =	smov.u32 s22  }
0x4d: {  	p1 =	slt.u32 s6, $0x1D0;
	_ =	sdelay $0x4  }
0x4e: {  	v3 =	vperm.xlane v4, v1;
	(xrf1) =	vunique.msk.u32 $0xffff, v4;
	_ =	sdelay $0xd  }
0x4f: {  	v6, _, _ =	vpop (xrf1)  }
0x50: {  	vm5 =	vne.s32 v4, v5;
	vm4 =	veq.s32 v6, v2  }
0x51: {  	vm6 =	vlt.u32 v4, $0xD1400;
	vm4 =	vmand vm5, vm4  }
0x52: {  	vm4 =	vmand vm6, vm4  }
0x53: {  	v4 =	vnsel vm4, $0xFFFFFFFF, v4  }
.Ltmp3:
0x54: {  	v5 =	vnsel vm6, $0xFFFFFFFE, v4;
	(pc) =	sbr.rel @p1 .LBB2_3-.Ltmp3, $3  }
0x55: {  	_ =	sdelay $0x1  }
0x56: {  	s22 =	sadd.s32 $0xFFFFFFF0, s22;
	s2 =	sadd.s32 $0xFFFFFFF0, s2;
	(ifvalue) =	ssetifvalue $0xFFFFFFFF  }
0x57: {  	[tilespmem:s2], [sflag:$0x8] =	stream.indirect_vreg.gather [hbm4b:s1+s16], $0x1, v4, vm0, $0x4038;
	[tilespmem:s26+$0x0] =	vst v5  }
0x58: {  	s2 =	sshrl.u32 s25, $0x3;
	s6 =	rddreg [dreg:$0x2]  }
0x59: {  	s0 =	sadd.s32 $0xA60, s0;
	s2 =	sadd.s32 s6, s2  }
0x5a: {  	[tilespmem:s0], [sflag:$0x8] =	stream.linear.gather [hbm:s2], $0x1E0, $0x38;
	[tilespmem:$0x1200] =	vst v63  }
.LBB2_5:
0x5b: {  	p1 =	slt.u32 s24, $0x2  }
0x5c: {  	p2 =	sge.u32 @!p1 s24, s12  }
0x5d: {  	p1 =	por p1, p2  }
.Ltmp4:
0x5e: {  	_ = 	snop;
	(pc) =	sbr.rel @p1 .LBB2_9-.Ltmp4, $1  }
0x5f: {  	_ =	sdelay $0x3  }
0x60: {  	s0 =	sadd.s32 $0xFFFFFFFE, s24  }
0x61: {  	s2 =	smulhi.u32 $0xAAAAAAAB, s0;
	_ =	sdelay $0x1  }
0x62: {  	s2 =	sshrl.u32 s2, $0x1  }
0x63: {  	s2 =	smul.u32 $0x3, s2;
	_ =	sdelay $0x1  }
0x64: {  	s0 =	ssub.s32 s0, s2  }
0x65: {  	_ =	swait.ge [sflag:s8], $0x3C0;
	s0 =	smul.u32 $0x1E0, s0  }
0x66: {  	p1 =	sne.s32 s24, s11;
	[sflag:s8] =	ssyncset.done $0x0  }
0x67: {  	[sflag:s8] =	ssyncadd.s32 $0xFFFFFC40;
	s2 =	sadd.s32 @!p1 $0x2DF, s0  }
0x68: {  	[spmem:s13] =	stream.linear.scatter @!p1 [tilespmem:s2], [sflag:$0x1], $0x1, $0x38;
	[tilespmem:$0x1200] =	vst v63  }
0x69: {  	s2 =	simm.s32 @!p1 $0x1  }
0x6a: {  	_ =	swait.ge @!p1 [sflag:s2], $0x1  }
0x6b: {  	s6 =	sshll.u32 s24, $0x4;
	[sflag:s2] =	ssyncset.done @!p1 $0x0  }
0x6c: {  	s25 =	sand.u32 $0x10, s6;
	[sflag:s2] =	ssyncadd.s32 @!p1 $0xFFFFFFFF  }
0x6d: {  	s2 =	sxor.u32 $0x10, s25;
	v4 =	vld [tilespmem:s25+$0x10]  }
0x6e: {  	v5 =	vld [tilespmem:s2+$0x60]  }
0x6f: {  	v3 =	vld [tilespmem:$0x80];
	_ =	sdelay $0x2  }
0x70: {  	(v2sf) =	vpush v4, $0x0  }
0x71: {  	(v2sf) =	vpush v5, $0x0  }
0x72: {  	(v2sf) =	vpush v3, $0x0;
	_ =	sdelay $0xc  }
0x73: {  	s26 =	spop (v2sf)  }
0x74: {  	s22 =	spop (v2sf)  }
0x75: {  	s28 =	spop (v2sf)  }
0x76: {  	p3 =	seq.s32 s26, s22;
	p2 =	seq.s32 s28, s26  }
0x77: {  	p2 =	por p3, p2  }
0x78: {  	s26 =	sand.u32 $0x1, s24;
	v4 =	vpsel p2, $0xFFFFFFFF, v4  }
0x79: {  	s29 =	smul.u32 $0x1E0, s26;
	[tilespmem:s25+$0x10] =	vst.msk $0x1, v4  }
0x7a: {  	v4 =	vld [tilespmem:$0x30]  }
0x7b: {  	v5 =	vld [tilespmem:s29+$0xA60]  }
0x7c: {  	v6 =	vld [tilespmem:s25+$0x40];
	_ =	sdelay $0x3  }
0x7d: {  	vm4 =	vmmov vm1;
	vm6 =	vmmov vm2;
	vm5 =	vgt.s32 v4, v5  }
0x7e: {  	vm4 =	vmmov @p3 vm2;
	s6 =	sshll.u32 s26, $0x4;
	v5 =	vsel vm5, v4, v5;
	vm5 =	vgt.s32 v4, v6  }
0x7f: {  	vm6 =	vmmov @p2 vm1;
	s26 =	sor.u32 $0x11E0, s6;
	v4 =	vsel vm5, v4, v6;
	[tilespmem:s29+$0xA60] =	vst.msk vm4, v5  }
0x80: {  	[tilespmem:s26+$0x0] =	vst.msk vm6, v4  }
0x81: {  	v4 =	vld [tilespmem:s29+$0x870];
	_ =	sdelay $0x4  }
0x82: {  	v4 =	vshift.insert v4, v1, s21  }
0x83: {  	s22 =	sor.u32 $0x40, s2  }
0x84: {  	v5 =	vimm.s32 $0x80000000;
	[tilespmem:s22+$0x0] =	vst.msk $0x1, v4  }
0x85: {  	[tilespmem:s29+$0x87F] =	vst.msk $0x1, v5  }
0x86: {  	v4 =	vld [tilespmem:s0+$0x2D0];
	_ =	sdelay $0x1  }
0x87: {  	s0 =	simm.s32 $0x1  }
0x88: {  	s22 =	smulhi.u32 $0xAAAAAAAB, s20;
	s0 =	simm.s32 @!p0 $0x0  }
0x89: {  	s0 =	smul.u32 $0x780, s0  }
0x8a: {  	s6 =	sshrl.u32 s22, $0x1;
	v4 =	vshift.insert v4, v1, s21  }
0x8b: {  	s6 =	smul.u32 $0xFFFFE980, s6;
	s0 =	sshrl.u32 s0, $0x2  }
0x8c: {  	s22 =	sadd.s32 $0xA60, s0;
	[tilespmem:s2+$0x10] =	vst.msk $0x1, v4  }
0x8d: {  	s6 =	sshra.s32 s6, $0x2;
	v6 =	vld [tilespmem:s22+$0x0]  }
0x8e: {  	s2 =	sadd.s32 s6, s19  }
0x8f: {  	v7 =	vld [tilespmem:s2+$0x0];
	_ =	sdelay $0x2  }
0x90: {  	vm4 =	vgt.s32 v6, v5  }
0x91: {  	v5 =	vsel vm4, v6, v5  }
0x92: {  	vm4 =	vne.s32 v7, $0xFFFFFFFF;
	v5 =	vxor.u32 $0x80000000, v5  }
0x93: {  	(xrf0) =	vmax.seg.scan.u32 vm4, v5  }
0x94: {  	s6 =	sadd.s32 $0x6A0, s0  }
0x95: {  	v8 =	vld [tilespmem:s6+$0x0]  }
0x96: {  	v6 =	vld [tilespmem:$0xA0];
	_ =	sdelay $0x2  }
0x97: {  	v5 =	vperm.xlane v4, v1;
	v9, _, _ =	vpop (xrf0)  }
0x98: {  	vm6 =	veq.s32 v7, v3;
	v9 =	vxor.u32 $0x80000000, v9  }
0x99: {  	vm8 =	veq.s32 v7, v5;
	vm5 =	veq.s32 v6, $0x1;
	vm7 =	vgt.s32 v9, v8  }
0x9a: {  	vm8 =	vmor vm8, vm6;
	v6 =	vsel vm7, v9, v8;
	vm7 =	vgt.u32 v7, $0xFFFFFFFD  }
0x9b: {  	v10 =	vld [tilespmem:$0x90];
	vm9 =	vmand vm4, vm3;
	vm4 =	vmor vm5, vm6;
	vm5 =	vmor vm8, vm7  }
0x9c: {  	v8 =	vsel vm5, $0xFFFFFFFF, v7;
	_ =	sdelay $0x1  }
0x9d: {  	s31 =	simm.s32 $0x0  }
0x9e: {  	s30 =	sadd.s32 $0xE20, s0;
	s0 =	sadd.s32 $0x10, s22;
	s2 =	sadd.s32 $0x10, s2;
	v11 =	vsel vm9, $0x80000000, v9;
	v6 =	vsel vm6, v9, v6  }
0x9f: {  	s22 =	sadd.s32 $0x10, s30;
	s6 =	sadd.s32 $0x10, s6;
	[tilespmem:s30+$0x0] =	vst v6;
	v6 =	vsel vm6, v9, v10;
	v7 =	vshift.insert v11, v0, s21;
	(ifvalue) =	ssetifvalue $0xFFFFFFFF  }
.LBB2_7:
0xa0: {  	[hbm4b:s1+s16] =	stream.indirect_vreg.scatter [tilespmem:s30], [sflag:$0x2], $0x1, v8, vm0, $0x4038;
	[tilespmem:$0x1200] =	vst v63  }
0xa1: {  	s31 =	sadd.s32 $0x10, s31;
	s30 =	smov.u32 s22;
	v8 =	vld [tilespmem:s0+$0x0]  }
0xa2: {  	p2 =	slt.u32 s31, $0x1D0  }
0xa3: {  	v9 =	vld [tilespmem:s2+$0x0];
	_ =	sdelay $0x2  }
0xa4: {  	vm5 =	vgt.s32 v8, v7  }
0xa5: {  	v7 =	vsel vm5, v8, v7  }
0xa6: {  	vm5 =	vne.s32 v9, $0xFFFFFFFF;
	v7 =	vxor.u32 $0x80000000, v7  }
0xa7: {  	(xrf0) =	vmax.seg.scan.u32 vm5, v7;
	_ =	sdelay $0x2  }
0xa8: {  	v7 =	vld [tilespmem:s6+$0x0];
	_ =	sdelay $0x1  }
0xa9: {  	vm6 =	veq.s32 v9, v3;
	vm7 =	veq.s32 v9, v5  }
0xaa: {  	vm8 =	vgt.u32 v9, $0xFFFFFFFD;
	vm4 =	vmor vm4, vm6;
	vm7 =	vmor vm7, vm6;
	v8, _, _ =	vpop (xrf0)  }
0xab: {  	vm5 =	vmand vm5, vm3;
	vm7 =	vmor vm7, vm8;
	v10 =	vxor.u32 $0x80000000, v8  }
.Ltmp5:
0xac: {  	v8 =	vsel vm7, $0xFFFFFFFF, v9;
	vm7 =	vgt.s32 v10, v7;
	v9 =	vsel vm5, $0x80000000, v10;
	(pc) =	sbr.rel @p2 .LBB2_7-.Ltmp5, $4  }
0xad: {  	v6 =	vsel vm6, v10, v6;
	v11 =	vsel vm7, v10, v7;
	v7 =	vshift.insert v9, v0, s21  }
0xae: {  	v9 =	vsel vm6, v10, v11  }
0xaf: {  	s0 =	sadd.s32 $0x10, s0;
	s2 =	sadd.s32 $0x10, s2;
	[tilespmem:s22+$0x0] =	vst v9  }
0xb0: {  	s6 =	sadd.s32 $0x10, s6;
	s22 =	sadd.s32 $0x10, s22;
	(ifvalue) =	ssetifvalue $0xFFFFFFFF  }
0xb1: {  	_ =	sdelay $0x3  }
0xb2: {  	[hbm4b:s1+s16] =	stream.indirect_vreg.scatter [tilespmem:s30], [sflag:$0x2], $0x1, v8, vm0, $0x4038;
	[tilespmem:$0x1200] =	vst v63  }
0xb3: {  	v3 =	vld [tilespmem:s29+$0xFF0];
	_ =	sdelay $0x4  }
0xb4: {  	v3 =	vshift.insert v3, v1, s21  }
0xb5: {  	s0 =	simm.s32 $0x30  }
0xb6: {  	[tilespmem:s0+$0x0] =	vst.msk $0x1, v3  }
0xb7: {  	v3 =	vsel vm4, $0x1, v1;
	[tilespmem:$0x90] =	vst v6  }
0xb8: {  	s0 =	sadd.s32 @!p1 $0xFFF, s29;
	[tilespmem:$0xA0] =	vst v3  }
0xb9: {  	[spmem:s14] =	stream.linear.scatter @!p1 [tilespmem:s0], [sflag:$0x1], $0x1, $0x38;
	[tilespmem:$0x1200] =	vst v63  }
0xba: {  	s0 =	simm.s32 @!p1 $0x1  }
0xbb: {  	v3 =	vmctz.xlane @!p1 vm4;
	_ =	swait.ge @!p1 [sflag:s0], $0x1  }
0xbc: {  	(v2sf) =	vpush @!p1 v4, $0x0  }
0xbd: {  	(v2sf) =	vpush @!p1 v3, $0x0;
	_ =	sdelay $0xd  }
0xbe: {  	s2 =	spop @!p1 (v2sf)  }
0xbf: {  	s6 =	spop @!p1 (v2sf)  }
0xc0: {  	p2 =	sne.s32 @!p1 s28, s2;
	p3 =	slt.s32 @!p1 s6, $0xF  }
0xc1: {  	[sflag:s0] =	ssyncset.done @!p1 $0x0;
	p2 =	por p2, p1;
	p3 =	por !p3, p1  }
0xc2: {  	[sflag:s0] =	ssyncadd.s32 @!p1 $0xFFFFFFFF;
	v3 =	vimm.s32 @!p2 $0xFFFFFFFF;
	s6 =	simm.s32 @p3 $0xF  }
0xc3: {  	[tilespmem:$0x80] =	vst @!p2 v3;
	s2 =	sadd.s32 @!p1 $0x90, s6  }
0xc4: {  	[spmem:s10] =	stream.linear.scatter @!p1 [tilespmem:s2], [sflag:$0x1], $0x1, $0x38;
	[tilespmem:$0x1200] =	vst v63  }
0xc5: {  	_ =	swait.ge @!p1 [sflag:s0], $0x1  }
0xc6: {  	[sflag:s0] =	ssyncset.done @!p1 $0x0  }
0xc7: {  	s2 =	simm.s32 @!p1 $0x80;
	[sflag:s0] =	ssyncadd.s32 @!p1 $0xFFFFFFFF  }
0xc8: {  	[spmem:s15] =	stream.linear.scatter @!p1 [tilespmem:s2], [sflag:$0x1], $0x1, $0x38;
	[tilespmem:$0x1200] =	vst v63  }
0xc9: {  	_ =	swait.ge @!p1 [sflag:s0], $0x1  }
0xca: {  	[sflag:s0] =	ssyncset.done @!p1 $0x0  }
0xcb: {  	[sflag:s0] =	ssyncadd.s32 @!p1 $0xFFFFFFFF;
	(ifvalue) =	ssetifvalue $0xFFFFFFFF;
	v3 =	vld [tilespmem:s25+$0x10];
	_ =	sdelay $0x3  }
.Ltmp6:
0xcc: {  	_ = 	snop;
	(pc) =	sbr.rel .LBB2_9-.Ltmp6, $3  }
0xcd: {  	_ =	sdelay $0x1  }
0xce: {  	(ifvalue) =	ssetifvalue $0xFFFFFFFF  }
0xcf: {  	[hbm4b:s1+s16] =	stream.indirect_vreg.scatter [tilespmem:s26], [sflag:$0x9], $0x1, v3, vm0, $0x4038;
	[tilespmem:$0x1200] =	vst v63  }
.LBB2_10:
0xd0: {  	_ =	sfence.sel $0x180000  }
0xd1: {  	s0 =	simm.s32 $0x7;
	[bflag:$0x0] =	sbarrier.arrive $0xFFFF  }
0xd2: {  	s26 =	simm.s32 $0x8;
	[sflag:s0] =	ssyncpa.u1 $0x1  }
0xd3: {  	s28 =	simm.s32 $0x9;
	[sflag:s26] =	ssyncpa.u1 $0x1  }
0xd4: {  	[sflag:s28] =	ssyncpa.u1 $0x1  }
0xd5: {  	_ =	sfence.stream.spmem  }
0xd6: {  	s29 =	simm.s32 $0x3;
	[bflag:$0x0] =	sbarrier.arrive $0xFFFF  }
0xd7: {  	s30 =	simm.s32 $0x4;
	[sflag:s29] =	ssyncpa.u1 $0x1  }
0xd8: {  	s31 =	simm.s32 $0x3C;
	s2 =	stileid.u32;
	[sflag:s30] =	ssyncpa.u1 $0x1  }
0xd9: {  	p0 =	sne.s32 s2, $0x0;
	[sflag:s31] =	ssyncpa.u1 $0x1  }
0xda: {  	s0 =	simm.s32 @p0 $0x1;
	_ =	sfence @p0  }
0xdb: {  	[sflag:s0] =	ssyncpa.u1 @p0 $0x1;
	s0 =	simm.s32 @p0 $0x2  }
0xdc: {  	[sflag:s0] =	ssyncpa.u1 @p0 $0x1  }
0xdd: {  	_ =	strace @p0 $0x9000004A  }
0xde: {  	[bflag:$0x2] =	sbarrier.arrive @p0 $0xFFFF  }
0xdf: {  	_ =	shalt @p0  }
.LBB2_11:
0xe0: {  	_ =	sfence.stream.spmem;
	s0 =	simm.s32 $0x5  }
0xe1: {  	s2 =	simm.s32 $0x80;
	s3 =	simm.s32 $0xC0;
	[sflag:s0] =	ssyncpa.u1 $0x0  }
0xe2: {  	[tilespmem:s3], [sflag:$0x5] =	stream.linear.gather [spmem:s2], $0x20, $0x38;
	[tilespmem:$0x1200] =	vst v63  }
0xe3: {  	s30 =	simm.s32 $0xE0;
	s2 =	simm.s32 $0x0  }
0xe4: {  	[tilespmem:s30], [sflag:$0x5] =	stream.linear.gather [spmem:s2], $0x20, $0x38;
	[tilespmem:$0x1200] =	vst v63  }
.Ltmp7:
0xe5: {  	_ = 	snop;
	(pc) =	sbr.rel .LBB2_12-.Ltmp7, $4  }
0xe6: {  	_ =	swait.ge [sflag:s0], $0x40  }
0xe7: {  	[sflag:s0] =	ssyncset.done $0x0  }
0xe8: {  	s31 =	simm.s32 $0x6;
	[sflag:s0] =	ssyncadd.s32 $0xFFFFFFC0  }
0xe9: {  	s3 =	simm.s32 $0x0;
	[sflag:s31] =	ssyncpa.u1 $0x0  }
.LBB2_17:
0xea: {  	p0 =	sgt.u32 s4, $0xD13FF  }
0xeb: {  	s0 =	sshrl.u32 @!p0 s4, $0x3  }
0xec: {  	s4 =	sand.u32 @!p0 $0x7, s4;
	s5 =	simm.s32 @!p0 $0xB0;
	s0 =	sadd.s32 @!p0 s1, s0  }
0xed: {  	[tilespmem:s5], [sflag:$0x6] =	stream.linear.gather @!p0 [hbm4b:s0+s4], $0x1, $0x38;
	[tilespmem:$0x1200] =	vst v63  }
0xee: {  	s0 =	simm.s32 @!p0 $0x6  }
0xef: {  	_ =	swait.ge @!p0 [sflag:s0], $0x1  }
0xf0: {  	[sflag:s0] =	ssyncset.done @!p0 $0x0  }
0xf1: {  	[sflag:s0] =	ssyncadd.s32 @!p0 $0xFFFFFFFF  }
0xf2: {  	v1 =	vld.msk @!p0 [tilespmem:$0xB0], $0x1  }
0xf3: {  	v2 =	vld.msk @!p0 [tilespmem:s3+$0xE0], $0x1;
	_ =	sdelay $0x4  }
0xf4: {  	vm0 =	vgt.s32 @!p0 v2, v1  }
0xf5: {  	v1 =	vsel @!p0 vm0, v2, v1  }
0xf6: {  	[tilespmem:s3+$0xE0] =	vst.msk @!p0 $0x1, v1  }
0xf7: {  	[tilespmem:s2+$0xC0] =	vst.msk $0x1, v0  }
0xf8: {  	v0 =	vld.msk [tilespmem:s3+$0xE0], $0x1;
	_ =	sdelay $0x4  }
0xf9: {  	[tilespmem:s2+$0xE0] =	vst.msk $0x1, v0;
	s2 =	sadd.s32 $0x1, s2  }
.LBB2_19:
0xfa: {  	s3 =	sadd.s32 $0x1, s3  }
0xfb: {  	p0 =	sne.s32 s3, $0x20  }
.Ltmp8:
0xfc: {  	_ = 	snop;
	(pc) =	sbr.rel @!p0 .LBB2_20-.Ltmp8, $1  }
0xfd: {  	_ =	sdelay $0x3  }
.LBB2_12:
0xfe: {  	v0 =	vld.msk [tilespmem:s3+$0xC0], $0x1;
	_ =	sdelay $0x4  }
0xff: {  	(v2sf) =	vpush v0, $0x0;
	_ =	sdelay $0xe  }
0x100: {  	s4 =	spop (v2sf)  }
0x101: {  	p0 =	seq.s32 s4, $0xFFFFFFFF  }
.Ltmp9:
0x102: {  	_ = 	snop;
	(pc) =	sbr.rel @p0 .LBB2_19-.Ltmp9, $1  }
0x103: {  	_ =	sdelay $0x3  }
0x104: {  	p0 =	slt.s32 s2, $0x1  }
.Ltmp10:
0x105: {  	_ = 	snop;
	(pc) =	sbr.rel @p0 .LBB2_17-.Ltmp10, $1  }
0x106: {  	_ =	sdelay $0x3  }
0x107: {  	s0 =	simm.s32 $0xC0;
	p0 =	por $0x0, $0x0  }
0x108: {  	v1 =	vld.msk @!p0 [tilespmem:s0+$0x0], $0x1;
	_ =	sdelay $0x4  }
0x109: {  	(v2sf) =	vpush @!p0 v1, $0x0;
	_ =	sdelay $0xd  }
0x10a: {  	p2 =	sne.s32 s2, $0x1  }
.Ltmp11:
0x10b: {  	s5 =	spop @!p0 (v2sf);
	(pc) =	sbr.rel @!p2 .LBB2_16-.Ltmp11, $4  }
0x10c: {  	p1 =	seq.s32 @!p0 s4, s5  }
0x10d: {  	s5 =	simm.s32 $0x0;
	p1 =	por !p1, p0  }
0x10e: {  	s7 =	simm.s32 $0xFFFFFFFF;
	s5 =	simm.s32 @p1 $0xFFFFFFFF  }
0x10f: {  	s6 =	simm.s32 $0x1;
	s5 =	smov.u32 @p0 s7  }
.LBB2_15:
0x110: {  	s7 =	smov.u32 s5;
	p0 =	sne.s32 s5, $0xFFFFFFFF  }
0x111: {  	s0 =	sadd.s32 $0x1, s0;
	s5 =	smov.u32 s6;
	s6 =	sadd.s32 $0x1, s6  }
0x112: {  	p1 =	sne.s32 s2, s6;
	v1 =	vld.msk @!p0 [tilespmem:s0+$0x0], $0x1;
	_ =	sdelay $0x4  }
0x113: {  	(v2sf) =	vpush @!p0 v1, $0x0;
	_ =	sdelay $0xe  }
.Ltmp12:
0x114: {  	s8 =	spop @!p0 (v2sf);
	(pc) =	sbr.rel @p1 .LBB2_15-.Ltmp12, $4  }
0x115: {  	p2 =	seq.s32 @!p0 s4, s8  }
0x116: {  	p2 =	por !p2, p0  }
0x117: {  	s5 =	simm.s32 @p2 $0xFFFFFFFF  }
0x118: {  	s5 =	smov.u32 @p0 s7  }
.LBB2_16:
0x119: {  	p0 =	sne.s32 s5, $0xFFFFFFFF  }
.Ltmp13:
0x11a: {  	_ = 	snop;
	(pc) =	sbr.rel @!p0 .LBB2_17-.Ltmp13, $1  }
0x11b: {  	_ =	sdelay $0x3  }
0x11c: {  	v0 =	vld.msk [tilespmem:s3+$0xE0], $0x1  }
0x11d: {  	v1 =	vld.msk [tilespmem:s5+$0xE0], $0x1;
	_ =	sdelay $0x2  }
.Ltmp14:
0x11e: {  	_ = 	snop;
	(pc) =	sbr.rel .LBB2_19-.Ltmp14, $4  }
0x11f: {  	_ = 	snop  }
0x120: {  	vm0 =	vgt.s32 v1, v0  }
0x121: {  	v0 =	vsel vm0, v1, v0  }
0x122: {  	[tilespmem:s5+$0xE0] =	vst.msk $0x1, v0  }
.LBB2_20:
0x123: {  	p0 =	slt.s32 s2, $0x1  }
.Ltmp15:
0x124: {  	_ = 	snop;
	(pc) =	sbr.rel @p0 .LBB2_24-.Ltmp15, $3  }
0x125: {  	_ =	sdelay $0x1  }
0x126: {  	s0 =	simm.s32 $0x6  }
0x127: {  	s3 =	simm.s32 $0x0;
	[sflag:s0] =	ssyncpa.u1 $0x1  }
0x128: {  	s0 =	simm.s32 $0xC0  }
0x129: {  	v0 =	vld.msk [tilespmem:s0+$0x0], $0x1;
	_ =	sdelay $0x4  }
0x12a: {  	(v2sf) =	vpush v0, $0x0;
	_ =	sdelay $0xe  }
0x12b: {  	s2 =	sadd.s32 $0xFFFFFFFF, s2;
	s4 =	spop (v2sf)  }
0x12c: {  	p1 =	sne.s32 s2, $0x0;
	p0 =	sgt.u32 s4, $0xD13FF  }
.Ltmp16:
0x12d: {  	s5 =	sshrl.u32 @!p0 s4, $0x3;
	(pc) =	sbr.rel @!p1 .LBB2_23-.Ltmp16, $4  }
0x12e: {  	s0 =	simm.s32 $0xE0;
	s4 =	sand.u32 @!p0 $0x7, s4;
	s5 =	sadd.s32 @!p0 s1, s5  }
0x12f: {  	[hbm4b:s5+s4] =	stream.linear.scatter @!p0 [tilespmem:s0], [sflag:$0x5], $0x1, $0x38;
	[tilespmem:$0x1200] =	vst v63  }
0x130: {  	s5 =	simm.s32 $0x0  }
0x131: {  	s4 =	simm.s32 $0xC1;
	s5 =	simm.s32 @!p0 $0x4  }
.LBB2_22:
0x132: {  	v0 =	vld.msk [tilespmem:s4+$0x0], $0x1;
	s2 =	sadd.s32 $0xFFFFFFFF, s2;
	s3 =	sadd.s32 s3, s5  }
0x133: {  	p0 =	sne.s32 s2, $0x0;
	_ =	sdelay $0x3  }
0x134: {  	(v2sf) =	vpush v0, $0x0;
	_ =	sdelay $0xe  }
.Ltmp17:
0x135: {  	s6 =	spop (v2sf);
	(pc) =	sbr.rel @p0 .LBB2_22-.Ltmp17, $4  }
0x136: {  	s5 =	simm.s32 $0x0;
	p1 =	sgt.u32 s6, $0xD13FF  }
0x137: {  	s0 =	sadd.s32 $0x1, s0;
	s5 =	simm.s32 @!p1 $0x4;
	s7 =	sshrl.u32 @!p1 s6, $0x3  }
0x138: {  	s4 =	sadd.s32 $0x1, s4;
	s6 =	sand.u32 @!p1 $0x7, s6;
	s7 =	sadd.s32 @!p1 s1, s7  }
0x139: {  	[hbm4b:s7+s6] =	stream.linear.scatter @!p1 [tilespmem:s0], [sflag:$0x5], $0x1, $0x38;
	[tilespmem:$0x1200] =	vst v63  }
.LBB2_23:
0x13a: {  	s0 =	sadd.s32 s3, s5  }
0x13b: {  	s3 =	sshrl.u32 s0, $0x2  }
.LBB2_24:
0x13c: {  	s0 =	simm.s32 $0x5  }
0x13d: {  	_ =	swait.ge [sflag:s0], s3  }
0x13e: {  	s1 =	ssub.s32 $0x0, s3;
	[sflag:s0] =	ssyncset.done $0x0  }
0x13f: {  	[sflag:s0] =	ssyncadd.s32 s1  }
0x140: {  	[sflag:s0] =	ssyncpa.u1 $0x1  }
0x141: {  	s29 =	simm.s32 $0x1;
	_ =	sfence  }
0x142: {  	s30 =	simm.s32 $0x2;
	[sflag:s29] =	ssyncpa.u1 $0x1  }
0x143: {  	[sflag:s30] =	ssyncpa.u1 $0x1  }
0x144: {  	_ =	strace $0x9000004A  }
0x145: {  	[bflag:$0x2] =	sbarrier.arrive $0xFFFF  }
0x146: {  	s31 =	rddreg [dreg:$0x1]  }
0x147: {  	s0 =	sadd.s32 $0x100000, s31  }
0x148: {  	[sflag:s0] =	ssyncadd.tile.s32 $0x1;
	_ =	shalt  }
.Lfunc_end2:
_tile_overlayer_lowered:
.L_overlay_start_2:
0x149: {  	(tag) =	ssettag $0x2  }
0x14a: {  	s0 =	rddreg [dreg:$0x0];
	s2 =	stileid.u32  }
0x14b: {  	s1 =	rddreg [dreg:$0x1];
	p0 =	sne.s32 s2, $0x0  }
0x14c: {  	s3 =	rddreg [dreg:$0x2];
	[bflag:$0x3] =	sbarrier.arrive $0xFFFF;
	s2 =	simm.s32 @!p0 $0x1C01  }
0x14d: {  	[timem:s3], [sflag:s2] =	dma.local @!p0 [hbm:s0], s1  }
0x14e: {  	s0 =	simm.s32 @!p0 $0x1  }
0x14f: {  	_ =	swait.ge @!p0 [sflag:s0], s1  }
0x150: {  	s1 =	ssub.s32 @!p0 $0x0, s1;
	[sflag:s0] =	ssyncset.done @!p0 $0x0  }
0x151: {  	[sflag:s0] =	ssyncadd.s32 @!p0 s1  }
0x152: {  	[bflag:$0x3] =	sbarrier.arrive $0xFFFF  }
0x153: {  	_ =	shalt  }

</sc_bundles>
